<compile_context>
chip_gen: v7x
topology: tpu7x:2x2x1
jax: 0.10.2.dev20260603
libtpu: 0.0.44.dev20260713+nightly
codegen_flags: <defaults>
</compile_context>

<pallas_src>
import functools

import jax
import jax.numpy as jnp
from jax import lax
from jax.experimental import pallas as pl
from jax.experimental.pallas import tpu as pltpu
from jax.experimental.pallas import tpu_sc as plsc

N = 10000
E = 160000
DF = 128
H = 16
C = 10
G = 64

NC = 2
NS = 16
NW = NC * NS

CHUNK = 128
E_PAD = 163840
N_CHUNKS = E_PAD // CHUNK
CH_PER_TILE = N_CHUNKS // NW
N_ACC = 10240
ROWS_PER_TILE = N_ACC // NS
DUMMY_DST = N

_sc_mesh = plsc.VectorSubcoreMesh(
    core_axis_name="c", subcore_axis_name="s", num_cores=NC, num_subcores=NS
)


def _sc_aggregate(table, src2d, dst2d, ea2d):

  @functools.partial(
      pl.kernel,
      out_type=jax.ShapeDtypeStruct((NC, N_ACC, 32), jnp.float32),
      mesh=_sc_mesh,
      compiler_params=pltpu.CompilerParams(
          needs_layout_passes=False, use_tc_tiling_on_sc=False),
      scratch_types=[
          pltpu.VMEM((CH_PER_TILE, CHUNK), jnp.int32),
          pltpu.VMEM((CH_PER_TILE, CHUNK), jnp.int32),
          pltpu.VMEM((CH_PER_TILE * CHUNK,), jnp.float32),
          pltpu.VMEM((CHUNK, 32), jnp.float32),
          pltpu.VMEM((CHUNK, 32), jnp.float32),
          pltpu.VMEM_SHARED((N_ACC, 32), jnp.float32),
          pltpu.SemaphoreType.DMA,
      ],
  )
  def sc_kernel(table_h, src_h, dst_h, ea_h, out_h,
                src_v, dst_v, ea_v, pq_v, m_v, acc, sem):
    cid = lax.axis_index("c")
    sid = lax.axis_index("s")
    wid = sid * NC + cid

    zeros16 = jnp.zeros((16,), jnp.float32)
    ones16 = jnp.ones((16,), jnp.float32)

    def zfill(j, carry):
      m_v[j, 0:16] = zeros16
      m_v[j, 16:32] = zeros16
      return carry

    lax.fori_loop(0, CHUNK, zfill, 0)

    for z in range(ROWS_PER_TILE // CHUNK):
      pltpu.sync_copy(m_v, acc.at[pl.ds(sid * ROWS_PER_TILE + z * CHUNK, CHUNK)])

    def ofill(j, carry):
      m_v[j, 16:32] = ones16
      return carry

    lax.fori_loop(0, CHUNK, ofill, 0)

    base = wid * CH_PER_TILE
    pltpu.sync_copy(src_h.at[pl.ds(base, CH_PER_TILE)], src_v)
    pltpu.sync_copy(dst_h.at[pl.ds(base, CH_PER_TILE)], dst_v)
    pltpu.sync_copy(ea_h.at[pl.ds(base * CHUNK, CH_PER_TILE * CHUNK)], ea_v)

    plsc.subcore_barrier()

    def chunk_body(g, carry):
      pltpu.async_copy(table_h.at[src_v.at[g]], pq_v, sem).wait()
      gbase = g * CHUNK

      def edge_body(j, carry2):
        ea_b = plsc.load_gather(ea_v, [jnp.full((16,), gbase + j, jnp.int32)])
        p = pq_v[j, 0:16]
        q = pq_v[j, 16:32]
        m_v[j, 0:16] = ea_b * p + q
        return carry2

      lax.fori_loop(0, CHUNK, edge_body, 0)
      pltpu.sync_copy(m_v, acc.at[dst_v.at[g]], add=True)
      return carry

    lax.fori_loop(0, CH_PER_TILE, chunk_body, 0)

    plsc.subcore_barrier()

    pltpu.sync_copy(
        acc.at[pl.ds(sid * ROWS_PER_TILE, ROWS_PER_TILE)],
        out_h.at[cid, pl.ds(sid * ROWS_PER_TILE, ROWS_PER_TILE)],
    )

  return sc_kernel(table, src2d, dst2d, ea2d)


def _tc_tables_in(x, w_pq, w_r):

  def body(x_ref, wpq_ref, wr_ref, pq_ref, r_ref):
    xb = x_ref[...]
    pq_ref[...] = jnp.dot(xb, wpq_ref[...], preferred_element_type=jnp.float32)
    r_ref[...] = jnp.dot(xb, wr_ref[...], preferred_element_type=jnp.float32)

  return pl.pallas_call(
      body,
      out_shape=(
          jax.ShapeDtypeStruct((N, 32), jnp.float32),
          jax.ShapeDtypeStruct((N, 16), jnp.float32),
      ),
  )(x, w_pq, w_r)


def _tc_mid(acc, r1, b1, w_pq, w_r):

  def body(acc_ref, r1_ref, b1_ref, wpq_ref, wr_ref, pq2_ref, r2_ref):
    s = acc_ref[0, :N, 0:16] + acc_ref[1, :N, 0:16]
    cnt = acc_ref[0, :N, 16:17] + acc_ref[1, :N, 16:17]
    agg = s / jnp.maximum(cnt, 1.0)
    h1 = jnp.maximum(r1_ref[...] + agg + b1_ref[...], 0.0)
    pq2_ref[...] = jnp.dot(h1, wpq_ref[...], preferred_element_type=jnp.float32)
    r2_ref[...] = jnp.dot(h1, wr_ref[...], preferred_element_type=jnp.float32)

  return pl.pallas_call(
      body,
      out_shape=(
          jax.ShapeDtypeStruct((N, 32), jnp.float32),
          jax.ShapeDtypeStruct((N, 16), jnp.float32),
      ),
  )(acc, r1, b1, w_pq, w_r)


def _tc_pool(acc, r2, b2, batch2d):

  def body(acc_ref, r2_ref, b2_ref, batch_ref, out_ref):
    s = acc_ref[0, :N, 0:16] + acc_ref[1, :N, 0:16]
    cnt = acc_ref[0, :N, 16:17] + acc_ref[1, :N, 16:17]
    h2 = r2_ref[...] + s / jnp.maximum(cnt, 1.0) + b2_ref[...]
    gid = lax.broadcasted_iota(jnp.int32, (1, G), 1)
    oh = (batch_ref[...] == gid).astype(jnp.float32)
    sums = lax.dot_general(oh, h2, (((0,), (0,)), ((), ())),
                           preferred_element_type=jnp.float32)
    gcnt = lax.dot_general(oh, jnp.ones((N, 1), jnp.float32),
                           (((0,), (0,)), ((), ())),
                           preferred_element_type=jnp.float32)
    pooled = sums / jnp.maximum(gcnt, 1.0)
    logits = pooled[:, 0:C]
    m = jnp.max(logits, axis=1, keepdims=True)
    z = logits - m
    out_ref[...] = z - jnp.log(jnp.sum(jnp.exp(z), axis=1, keepdims=True))

  return pl.pallas_call(
      body,
      out_shape=jax.ShapeDtypeStruct((G, C), jnp.float32),
  )(acc, r2, b2, batch2d)


def kernel(x, edge_index, edge_attr, batch,
           lin1_w, lin1_b, root1_w, bias1,
           lin2_w, lin2_b, root2_w, bias2):
  f32 = jnp.float32
  src = edge_index[0].astype(jnp.int32)
  dst = edge_index[1].astype(jnp.int32)
  ea = edge_attr.reshape(E).astype(f32)

  npad = E_PAD - E
  src2d = jnp.concatenate([src, jnp.zeros((npad,), jnp.int32)]).reshape(
      N_CHUNKS, CHUNK)
  dst2d = jnp.concatenate(
      [dst, jnp.full((npad,), DUMMY_DST, jnp.int32)]).reshape(N_CHUNKS, CHUNK)
  ea_pad = jnp.concatenate([ea, jnp.zeros((npad,), f32)])

  w1 = lin1_w.reshape(DF, H)
  b1m = lin1_b.reshape(DF, H)
  w1_pq = jnp.concatenate([w1, b1m], axis=1)
  bias1r = bias1.reshape(1, H)

  w2 = lin2_w.reshape(H, C)
  b2m = lin2_b.reshape(H, C)
  zpad = jnp.zeros((H, H - C), f32)
  w2_pq = jnp.concatenate([w2, zpad, b2m, zpad], axis=1)
  root2p = jnp.concatenate([root2_w, zpad], axis=1)
  bias2r = jnp.concatenate([bias2, jnp.zeros((H - C,), f32)]).reshape(1, H)

  batch2d = batch.astype(jnp.int32).reshape(N, 1)

  pq1, r1 = _tc_tables_in(x, w1_pq, root1_w)
  acc1 = _sc_aggregate(pq1, src2d, dst2d, ea_pad)
  pq2, r2 = _tc_mid(acc1, r1, bias1r, w2_pq, root2p)
  acc2 = _sc_aggregate(pq2, src2d, dst2d, ea_pad)
  return _tc_pool(acc2, r2, bias2r, batch2d)

# --- scband reference (transcript-rebuilt; emitter-appended) ---
"""Pipeline reference for scband-gcn-57578331571013 (READ-ONLY COPY).

The authoritative reference and input builder live on the scoring server;
editing this copy changes nothing except your own understanding.
"""

import jax, jax.numpy as jnp
import numpy as np

N = 10000   # nodes
E = 160000  # edges
DF = 128    # dataset.num_node_features
H = 16      # hidden_channels
C = 10      # dataset.num_classes
G = 64      # number of graphs in batch


def setup_inputs(seed: int = 0) -> dict:
    key = jax.random.key(seed)
    ks = jax.random.split(key, 12)
    x = jax.random.normal(ks[0], (N, DF), dtype=jnp.float32)
    edge_index = jax.random.randint(ks[1], (2, E), 0, N, dtype=jnp.int64)
    edge_attr = jax.random.normal(ks[2], (E, 1), dtype=jnp.float32)
    batch = jnp.sort(jax.random.randint(ks[3], (N,), 0, G, dtype=jnp.int64))
    # edge network lin1: Linear(1 -> DF*H)
    lin1_w = jax.random.normal(ks[4], (1, DF * H), dtype=jnp.float32) * 0.1
    lin1_b = jax.random.normal(ks[5], (DF * H,), dtype=jnp.float32) * 0.05
    # NNConv1 root weight + bias
    root1_w = jax.random.normal(ks[6], (DF, H), dtype=jnp.float32) / np.sqrt(DF)
    bias1 = jnp.zeros((H,), dtype=jnp.float32)
    # edge network lin2: Linear(1 -> H*C)
    lin2_w = jax.random.normal(ks[7], (1, H * C), dtype=jnp.float32) * 0.1
    lin2_b = jax.random.normal(ks[8], (H * C,), dtype=jnp.float32) * 0.05
    # NNConv2 root weight + bias
    root2_w = jax.random.normal(ks[9], (H, C), dtype=jnp.float32) / np.sqrt(H)
    bias2 = jnp.zeros((C,), dtype=jnp.float32)
    return {
        "x": x, "edge_index": edge_index, "edge_attr": edge_attr, "batch": batch,
        "lin1_w": lin1_w, "lin1_b": lin1_b, "root1_w": root1_w, "bias1": bias1,
        "lin2_w": lin2_w, "lin2_b": lin2_b, "root2_w": root2_w, "bias2": bias2,
    }


def reference(x, edge_index, edge_attr, batch,
              lin1_w, lin1_b, root1_w, bias1,
              lin2_w, lin2_b, root2_w, bias2):
    ea = edge_attr.reshape(-1, 1)
    src = edge_index[0]
    dst = edge_index[1]
    ones_e = jnp.ones((E,), dtype=x.dtype)

    def nnconv(h, nn_w, nn_b, root_w, b, in_ch, out_ch):
        # edge-conditioned weights: [E, in_ch, out_ch]
        w_e = (ea @ nn_w + nn_b).reshape(-1, in_ch, out_ch)
        h_j = h[src]                               # gather source node feats
        m = jnp.einsum('ei,eio->eo', h_j, w_e)     # per-edge message
        s = jax.ops.segment_sum(m, dst, num_segments=N)
        cnt = jax.ops.segment_sum(ones_e, dst, num_segments=N)
        agg = s / jnp.clip(cnt, 1.0)[:, None]      # aggr='mean'
        return h @ root_w + agg + b                # root weight + bias (PyG NNConv defaults)

    h1 = jax.nn.relu(nnconv(x, lin1_w, lin1_b, root1_w, bias1, DF, H))
    # F.dropout(training=self.training) -> identity in eval mode
    h2 = nnconv(h1, lin2_w, lin2_b, root2_w, bias2, H, C)
    gs = jax.ops.segment_sum(h2, batch, num_segments=G)
    gc = jax.ops.segment_sum(jnp.ones((N,), h2.dtype), batch, num_segments=G)
    pooled = gs / jnp.clip(gc, 1.0)[:, None]       # global_mean_pool
    return jax.nn.log_softmax(pooled, axis=1)

if __name__ == "__main__":
    import jax
    _d = setup_inputs()
    print(jax.jit(kernel)(*tuple(_d.values())))

</pallas_src>

<mosaic_0001>
#map = affine_map<(d0, d1) -> (0, 0)>
#map1 = affine_map<(d0, d1) -> (0)>
#map2 = affine_map<(d0, d1) -> (0, 0, 0)>
module attributes {stable_mosaic.version = 14 : i64} {
  func.func @sc_kernel(%arg0: i32, %arg1: i32, %arg2: memref<10000x32xf32, #tpu.memory_space<hbm>>, %arg3: memref<1280x128xi32, #tpu.memory_space<hbm>>, %arg4: memref<1280x128xi32, #tpu.memory_space<hbm>>, %arg5: memref<163840xf32, #tpu.memory_space<hbm>>, %arg6: memref<2x10240x32xf32, #tpu.memory_space<hbm>>, %arg7: memref<40x128xi32, #tpu.memory_space<vmem>>, %arg8: memref<40x128xi32, #tpu.memory_space<vmem>>, %arg9: memref<5120xf32, #tpu.memory_space<vmem>>, %arg10: memref<128x32xf32, #tpu.memory_space<vmem>>, %arg11: memref<128x32xf32, #tpu.memory_space<vmem>>, %arg12: memref<10240x32xf32, #tpu.memory_space<vmem_shared>>, %arg13: memref<!tpu.dma_semaphore, #tpu.memory_space<semaphore_mem>>) attributes {dimension_semantics = [#tpu.dimension_semantics<core_parallel>, #tpu.dimension_semantics<subcore_parallel>], iteration_bounds = array<i64: 2, 16>, scalar_prefetch = 0 : i64, scratch_operands = 7 : i64, tpu.core_type = #tpu.core_type<sc_vector_subcore>, window_params = [{transform_indices = #map}, {transform_indices = #map}, {transform_indices = #map}, {transform_indices = #map1}, {transform_indices = #map2}]} {
    %mul3A = arith.constant 2 : i32
    %mul3A_0 = arith.muli %arg1, %mul3A : i32
    %add3A = arith.addi %mul3A_0, %arg0 : i32
    %broadcast_in_dim3A = arith.constant 0.000000e+00 : f32
    %broadcast_in_dim3A_1 = vector.broadcast %broadcast_in_dim3A : f32 to vector<16xf32>
    %broadcast_in_dim3A_2 = arith.constant 1.000000e+00 : f32
    %broadcast_in_dim3A_3 = vector.broadcast %broadcast_in_dim3A_2 : f32 to vector<16xf32>
    %scan3A = arith.constant 0 : i32
    %scan3A_4 = arith.constant 0 : i32
    %scan3A_5 = arith.constant 128 : i32
    %scan3A_6 = arith.addi %scan3A_4, %scan3A_5 : i32
    %scan3A_7 = arith.constant 1 : i32
    scf.for %scan3A_50 = %scan3A_4 to %scan3A_6 step %scan3A_7  : i32 {
      %swap3A = arith.index_cast %scan3A_50 : i32 to index
      %swap3A_51 = arith.constant 0 : index
      %swap3A_52 = tpu.vector_load %arg11[%swap3A, %swap3A_51] {strides = array<i32>} : memref<128x32xf32, #tpu.memory_space<vmem>>, vector<16xf32>,
      tpu.vector_store %arg11[%swap3A, %swap3A_51], %broadcast_in_dim3A_1 {strides = array<i32>} : memref<128x32xf32, #tpu.memory_space<vmem>>, vector<16xf32>,
      %swap3A_53 = arith.index_cast %scan3A_50 : i32 to index
      %swap3A_54 = arith.constant 16 : index
      %swap3A_55 = tpu.vector_load %arg11[%swap3A_53, %swap3A_54] {strides = array<i32>} : memref<128x32xf32, #tpu.memory_space<vmem>>, vector<16xf32>,
      tpu.vector_store %arg11[%swap3A_53, %swap3A_54], %broadcast_in_dim3A_1 {strides = array<i32>} : memref<128x32xf32, #tpu.memory_space<vmem>>, vector<16xf32>,
    }
    %scan3A_8 = arith.constant 128 : i32
    %mul3A_9 = arith.constant 640 : i32
    %mul3A_10 = arith.muli %arg1, %mul3A_9 : i32
    %add3A_11 = arith.constant 0 : i32
    %add3A_12 = arith.addi %mul3A_10, %add3A_11 : i32
    "tpu.region"() ({
      %run_scoped3A = tpu.sem_alloc : memref<!tpu.dma_semaphore, #tpu.memory_space<semaphore_mem>>
      %dma_start3A = arith.constant 0 : i32
      %dma_start3A_50 = tpu.memref_slice %arg12[%add3A_12, %dma_start3A] : memref<10240x32xf32, #tpu.memory_space<vmem_shared>> -> memref<128x32xf32, #tpu.memory_space<vmem_shared>>
      %dma_start3A_51 = arith.constant 0 : i32
      %dma_start3A_52 = tpu.memref_slice %arg12[%add3A_12, %dma_start3A_51] : memref<10240x32xf32, #tpu.memory_space<vmem_shared>> -> memref<128x32xf32, #tpu.memory_space<vmem_shared>>
      tpu.enqueue_dma source(%arg11 : memref<128x32xf32, #tpu.memory_space<vmem>>) target(%dma_start3A_52 : memref<128x32xf32, #tpu.memory_space<vmem_shared>>) target_semaphore(%run_scoped3A : memref<!tpu.dma_semaphore, #tpu.memory_space<semaphore_mem>>)
      %dma_wait3A = arith.constant 0 : i32
      %dma_wait3A_53 = tpu.memref_slice %arg12[%add3A_12, %dma_wait3A] : memref<10240x32xf32, #tpu.memory_space<vmem_shared>> -> memref<128x32xf32, #tpu.memory_space<vmem_shared>>
      %dma_wait3A_54 = arith.constant 0 : i32
      %dma_wait3A_55 = tpu.memref_slice %arg12[%add3A_12, %dma_wait3A_54] : memref<10240x32xf32, #tpu.memory_space<vmem_shared>> -> memref<128x32xf32, #tpu.memory_space<vmem_shared>>
      tpu.wait_dma2 semaphore(%run_scoped3A : memref<!tpu.dma_semaphore, #tpu.memory_space<semaphore_mem>>) src(%arg11 : memref<128x32xf32, #tpu.memory_space<vmem>>) dst(%dma_wait3A_55 : memref<128x32xf32, #tpu.memory_space<vmem_shared>>)
      tpu.yield
    }) : () -> ()
    %mul3A_13 = arith.constant 640 : i32
    %mul3A_14 = arith.muli %arg1, %mul3A_13 : i32
    %add3A_15 = arith.constant 128 : i32
    %add3A_16 = arith.addi %mul3A_14, %add3A_15 : i32
    "tpu.region"() ({
      %run_scoped3A = tpu.sem_alloc : memref<!tpu.dma_semaphore, #tpu.memory_space<semaphore_mem>>
      %dma_start3A = arith.constant 0 : i32
      %dma_start3A_50 = tpu.memref_slice %arg12[%add3A_16, %dma_start3A] : memref<10240x32xf32, #tpu.memory_space<vmem_shared>> -> memref<128x32xf32, #tpu.memory_space<vmem_shared>>
      %dma_start3A_51 = arith.constant 0 : i32
      %dma_start3A_52 = tpu.memref_slice %arg12[%add3A_16, %dma_start3A_51] : memref<10240x32xf32, #tpu.memory_space<vmem_shared>> -> memref<128x32xf32, #tpu.memory_space<vmem_shared>>
      tpu.enqueue_dma source(%arg11 : memref<128x32xf32, #tpu.memory_space<vmem>>) target(%dma_start3A_52 : memref<128x32xf32, #tpu.memory_space<vmem_shared>>) target_semaphore(%run_scoped3A : memref<!tpu.dma_semaphore, #tpu.memory_space<semaphore_mem>>)
      %dma_wait3A = arith.constant 0 : i32
      %dma_wait3A_53 = tpu.memref_slice %arg12[%add3A_16, %dma_wait3A] : memref<10240x32xf32, #tpu.memory_space<vmem_shared>> -> memref<128x32xf32, #tpu.memory_space<vmem_shared>>
      %dma_wait3A_54 = arith.constant 0 : i32
      %dma_wait3A_55 = tpu.memref_slice %arg12[%add3A_16, %dma_wait3A_54] : memref<10240x32xf32, #tpu.memory_space<vmem_shared>> -> memref<128x32xf32, #tpu.memory_space<vmem_shared>>
      tpu.wait_dma2 semaphore(%run_scoped3A : memref<!tpu.dma_semaphore, #tpu.memory_space<semaphore_mem>>) src(%arg11 : memref<128x32xf32, #tpu.memory_space<vmem>>) dst(%dma_wait3A_55 : memref<128x32xf32, #tpu.memory_space<vmem_shared>>)
      tpu.yield
    }) : () -> ()
    %mul3A_17 = arith.constant 640 : i32
    %mul3A_18 = arith.muli %arg1, %mul3A_17 : i32
    %add3A_19 = arith.constant 256 : i32
    %add3A_20 = arith.addi %mul3A_18, %add3A_19 : i32
    "tpu.region"() ({
      %run_scoped3A = tpu.sem_alloc : memref<!tpu.dma_semaphore, #tpu.memory_space<semaphore_mem>>
      %dma_start3A = arith.constant 0 : i32
      %dma_start3A_50 = tpu.memref_slice %arg12[%add3A_20, %dma_start3A] : memref<10240x32xf32, #tpu.memory_space<vmem_shared>> -> memref<128x32xf32, #tpu.memory_space<vmem_shared>>
      %dma_start3A_51 = arith.constant 0 : i32
      %dma_start3A_52 = tpu.memref_slice %arg12[%add3A_20, %dma_start3A_51] : memref<10240x32xf32, #tpu.memory_space<vmem_shared>> -> memref<128x32xf32, #tpu.memory_space<vmem_shared>>
      tpu.enqueue_dma source(%arg11 : memref<128x32xf32, #tpu.memory_space<vmem>>) target(%dma_start3A_52 : memref<128x32xf32, #tpu.memory_space<vmem_shared>>) target_semaphore(%run_scoped3A : memref<!tpu.dma_semaphore, #tpu.memory_space<semaphore_mem>>)
      %dma_wait3A = arith.constant 0 : i32
      %dma_wait3A_53 = tpu.memref_slice %arg12[%add3A_20, %dma_wait3A] : memref<10240x32xf32, #tpu.memory_space<vmem_shared>> -> memref<128x32xf32, #tpu.memory_space<vmem_shared>>
      %dma_wait3A_54 = arith.constant 0 : i32
      %dma_wait3A_55 = tpu.memref_slice %arg12[%add3A_20, %dma_wait3A_54] : memref<10240x32xf32, #tpu.memory_space<vmem_shared>> -> memref<128x32xf32, #tpu.memory_space<vmem_shared>>
      tpu.wait_dma2 semaphore(%run_scoped3A : memref<!tpu.dma_semaphore, #tpu.memory_space<semaphore_mem>>) src(%arg11 : memref<128x32xf32, #tpu.memory_space<vmem>>) dst(%dma_wait3A_55 : memref<128x32xf32, #tpu.memory_space<vmem_shared>>)
      tpu.yield
    }) : () -> ()
    %mul3A_21 = arith.constant 640 : i32
    %mul3A_22 = arith.muli %arg1, %mul3A_21 : i32
    %add3A_23 = arith.constant 384 : i32
    %add3A_24 = arith.addi %mul3A_22, %add3A_23 : i32
    "tpu.region"() ({
      %run_scoped3A = tpu.sem_alloc : memref<!tpu.dma_semaphore, #tpu.memory_space<semaphore_mem>>
      %dma_start3A = arith.constant 0 : i32
      %dma_start3A_50 = tpu.memref_slice %arg12[%add3A_24, %dma_start3A] : memref<10240x32xf32, #tpu.memory_space<vmem_shared>> -> memref<128x32xf32, #tpu.memory_space<vmem_shared>>
      %dma_start3A_51 = arith.constant 0 : i32
      %dma_start3A_52 = tpu.memref_slice %arg12[%add3A_24, %dma_start3A_51] : memref<10240x32xf32, #tpu.memory_space<vmem_shared>> -> memref<128x32xf32, #tpu.memory_space<vmem_shared>>
      tpu.enqueue_dma source(%arg11 : memref<128x32xf32, #tpu.memory_space<vmem>>) target(%dma_start3A_52 : memref<128x32xf32, #tpu.memory_space<vmem_shared>>) target_semaphore(%run_scoped3A : memref<!tpu.dma_semaphore, #tpu.memory_space<semaphore_mem>>)
      %dma_wait3A = arith.constant 0 : i32
      %dma_wait3A_53 = tpu.memref_slice %arg12[%add3A_24, %dma_wait3A] : memref<10240x32xf32, #tpu.memory_space<vmem_shared>> -> memref<128x32xf32, #tpu.memory_space<vmem_shared>>
      %dma_wait3A_54 = arith.constant 0 : i32
      %dma_wait3A_55 = tpu.memref_slice %arg12[%add3A_24, %dma_wait3A_54] : memref<10240x32xf32, #tpu.memory_space<vmem_shared>> -> memref<128x32xf32, #tpu.memory_space<vmem_shared>>
      tpu.wait_dma2 semaphore(%run_scoped3A : memref<!tpu.dma_semaphore, #tpu.memory_space<semaphore_mem>>) src(%arg11 : memref<128x32xf32, #tpu.memory_space<vmem>>) dst(%dma_wait3A_55 : memref<128x32xf32, #tpu.memory_space<vmem_shared>>)
      tpu.yield
    }) : () -> ()
    %mul3A_25 = arith.constant 640 : i32
    %mul3A_26 = arith.muli %arg1, %mul3A_25 : i32
    %add3A_27 = arith.constant 512 : i32
    %add3A_28 = arith.addi %mul3A_26, %add3A_27 : i32
    "tpu.region"() ({
      %run_scoped3A = tpu.sem_alloc : memref<!tpu.dma_semaphore, #tpu.memory_space<semaphore_mem>>
      %dma_start3A = arith.constant 0 : i32
      %dma_start3A_50 = tpu.memref_slice %arg12[%add3A_28, %dma_start3A] : memref<10240x32xf32, #tpu.memory_space<vmem_shared>> -> memref<128x32xf32, #tpu.memory_space<vmem_shared>>
      %dma_start3A_51 = arith.constant 0 : i32
      %dma_start3A_52 = tpu.memref_slice %arg12[%add3A_28, %dma_start3A_51] : memref<10240x32xf32, #tpu.memory_space<vmem_shared>> -> memref<128x32xf32, #tpu.memory_space<vmem_shared>>
      tpu.enqueue_dma source(%arg11 : memref<128x32xf32, #tpu.memory_space<vmem>>) target(%dma_start3A_52 : memref<128x32xf32, #tpu.memory_space<vmem_shared>>) target_semaphore(%run_scoped3A : memref<!tpu.dma_semaphore, #tpu.memory_space<semaphore_mem>>)
      %dma_wait3A = arith.constant 0 : i32
      %dma_wait3A_53 = tpu.memref_slice %arg12[%add3A_28, %dma_wait3A] : memref<10240x32xf32, #tpu.memory_space<vmem_shared>> -> memref<128x32xf32, #tpu.memory_space<vmem_shared>>
      %dma_wait3A_54 = arith.constant 0 : i32
      %dma_wait3A_55 = tpu.memref_slice %arg12[%add3A_28, %dma_wait3A_54] : memref<10240x32xf32, #tpu.memory_space<vmem_shared>> -> memref<128x32xf32, #tpu.memory_space<vmem_shared>>
      tpu.wait_dma2 semaphore(%run_scoped3A : memref<!tpu.dma_semaphore, #tpu.memory_space<semaphore_mem>>) src(%arg11 : memref<128x32xf32, #tpu.memory_space<vmem>>) dst(%dma_wait3A_55 : memref<128x32xf32, #tpu.memory_space<vmem_shared>>)
      tpu.yield
    }) : () -> ()
    %scan3A_29 = arith.constant 0 : i32
    %scan3A_30 = arith.constant 0 : i32
    %scan3A_31 = arith.constant 128 : i32
    %scan3A_32 = arith.addi %scan3A_30, %scan3A_31 : i32
    %scan3A_33 = arith.constant 1 : i32
    scf.for %scan3A_50 = %scan3A_30 to %scan3A_32 step %scan3A_33  : i32 {
      %swap3A = arith.index_cast %scan3A_50 : i32 to index
      %swap3A_51 = arith.constant 16 : index
      %swap3A_52 = tpu.vector_load %arg11[%swap3A, %swap3A_51] {strides = array<i32>} : memref<128x32xf32, #tpu.memory_space<vmem>>, vector<16xf32>,
      tpu.vector_store %arg11[%swap3A, %swap3A_51], %broadcast_in_dim3A_3 {strides = array<i32>} : memref<128x32xf32, #tpu.memory_space<vmem>>, vector<16xf32>,
    }
    %scan3A_34 = arith.constant 128 : i32
    %mul3A_35 = arith.constant 40 : i32
    %mul3A_36 = arith.muli %add3A, %mul3A_35 : i32
    "tpu.region"() ({
      %run_scoped3A = tpu.sem_alloc : memref<!tpu.dma_semaphore, #tpu.memory_space<semaphore_mem>>
      %dma_start3A = arith.constant 0 : i32
      %dma_start3A_50 = tpu.memref_slice %arg3[%mul3A_36, %dma_start3A] : memref<1280x128xi32, #tpu.memory_space<hbm>> -> memref<40x128xi32, #tpu.memory_space<hbm>>
      %dma_start3A_51 = arith.constant 0 : i32
      %dma_start3A_52 = tpu.memref_slice %arg3[%mul3A_36, %dma_start3A_51] : memref<1280x128xi32, #tpu.memory_space<hbm>> -> memref<40x128xi32, #tpu.memory_space<hbm>>
      tpu.enqueue_dma source(%dma_start3A_52 : memref<40x128xi32, #tpu.memory_space<hbm>>) target(%arg7 : memref<40x128xi32, #tpu.memory_space<vmem>>) target_semaphore(%run_scoped3A : memref<!tpu.dma_semaphore, #tpu.memory_space<semaphore_mem>>)
      %dma_wait3A = arith.constant 0 : i32
      %dma_wait3A_53 = tpu.memref_slice %arg3[%mul3A_36, %dma_wait3A] : memref<1280x128xi32, #tpu.memory_space<hbm>> -> memref<40x128xi32, #tpu.memory_space<hbm>>
      %dma_wait3A_54 = arith.constant 0 : i32
      %dma_wait3A_55 = tpu.memref_slice %arg3[%mul3A_36, %dma_wait3A_54] : memref<1280x128xi32, #tpu.memory_space<hbm>> -> memref<40x128xi32, #tpu.memory_space<hbm>>
      tpu.wait_dma2 semaphore(%run_scoped3A : memref<!tpu.dma_semaphore, #tpu.memory_space<semaphore_mem>>) src(%dma_wait3A_55 : memref<40x128xi32, #tpu.memory_space<hbm>>) dst(%arg7 : memref<40x128xi32, #tpu.memory_space<vmem>>)
      tpu.yield
    }) : () -> ()
    "tpu.region"() ({
      %run_scoped3A = tpu.sem_alloc : memref<!tpu.dma_semaphore, #tpu.memory_space<semaphore_mem>>
      %dma_start3A = arith.constant 0 : i32
      %dma_start3A_50 = tpu.memref_slice %arg4[%mul3A_36, %dma_start3A] : memref<1280x128xi32, #tpu.memory_space<hbm>> -> memref<40x128xi32, #tpu.memory_space<hbm>>
      %dma_start3A_51 = arith.constant 0 : i32
      %dma_start3A_52 = tpu.memref_slice %arg4[%mul3A_36, %dma_start3A_51] : memref<1280x128xi32, #tpu.memory_space<hbm>> -> memref<40x128xi32, #tpu.memory_space<hbm>>
      tpu.enqueue_dma source(%dma_start3A_52 : memref<40x128xi32, #tpu.memory_space<hbm>>) target(%arg8 : memref<40x128xi32, #tpu.memory_space<vmem>>) target_semaphore(%run_scoped3A : memref<!tpu.dma_semaphore, #tpu.memory_space<semaphore_mem>>)
      %dma_wait3A = arith.constant 0 : i32
      %dma_wait3A_53 = tpu.memref_slice %arg4[%mul3A_36, %dma_wait3A] : memref<1280x128xi32, #tpu.memory_space<hbm>> -> memref<40x128xi32, #tpu.memory_space<hbm>>
      %dma_wait3A_54 = arith.constant 0 : i32
      %dma_wait3A_55 = tpu.memref_slice %arg4[%mul3A_36, %dma_wait3A_54] : memref<1280x128xi32, #tpu.memory_space<hbm>> -> memref<40x128xi32, #tpu.memory_space<hbm>>
      tpu.wait_dma2 semaphore(%run_scoped3A : memref<!tpu.dma_semaphore, #tpu.memory_space<semaphore_mem>>) src(%dma_wait3A_55 : memref<40x128xi32, #tpu.memory_space<hbm>>) dst(%arg8 : memref<40x128xi32, #tpu.memory_space<vmem>>)
      tpu.yield
    }) : () -> ()
    %mul3A_37 = arith.constant 128 : i32
    %mul3A_38 = arith.muli %mul3A_36, %mul3A_37 : i32
    "tpu.region"() ({
      %run_scoped3A = tpu.sem_alloc : memref<!tpu.dma_semaphore, #tpu.memory_space<semaphore_mem>>
      %dma_start3A = tpu.memref_slice %arg5[%mul3A_38] : memref<163840xf32, #tpu.memory_space<hbm>> -> memref<5120xf32, #tpu.memory_space<hbm>>
      %dma_start3A_50 = tpu.memref_slice %arg5[%mul3A_38] : memref<163840xf32, #tpu.memory_space<hbm>> -> memref<5120xf32, #tpu.memory_space<hbm>>
      tpu.enqueue_dma source(%dma_start3A_50 : memref<5120xf32, #tpu.memory_space<hbm>>) target(%arg9 : memref<5120xf32, #tpu.memory_space<vmem>>) target_semaphore(%run_scoped3A : memref<!tpu.dma_semaphore, #tpu.memory_space<semaphore_mem>>)
      %dma_wait3A = tpu.memref_slice %arg5[%mul3A_38] : memref<163840xf32, #tpu.memory_space<hbm>> -> memref<5120xf32, #tpu.memory_space<hbm>>
      %dma_wait3A_51 = tpu.memref_slice %arg5[%mul3A_38] : memref<163840xf32, #tpu.memory_space<hbm>> -> memref<5120xf32, #tpu.memory_space<hbm>>
      tpu.wait_dma2 semaphore(%run_scoped3A : memref<!tpu.dma_semaphore, #tpu.memory_space<semaphore_mem>>) src(%dma_wait3A_51 : memref<5120xf32, #tpu.memory_space<hbm>>) dst(%arg9 : memref<5120xf32, #tpu.memory_space<vmem>>)
      tpu.yield
    }) : () -> ()
    %barrier3A = arith.constant 0 : index
    tpu.barrier barrier_id(%barrier3A)
    %scan3A_39 = arith.constant 0 : i32
    %scan3A_40 = arith.constant 0 : i32
    %scan3A_41 = arith.constant 40 : i32
    %scan3A_42 = arith.addi %scan3A_40, %scan3A_41 : i32
    %scan3A_43 = arith.constant 1 : i32
    scf.for %scan3A_50 = %scan3A_40 to %scan3A_42 step %scan3A_43  : i32 {
      %dma_start3A = arith.constant 0 : i32
      %dma_start3A_51 = tpu.memref_slice %arg7[%scan3A_50, %dma_start3A] : memref<40x128xi32, #tpu.memory_space<vmem>> -> memref<1x128xi32, #tpu.memory_space<vmem>>
      %dma_start3A_52 = tpu.memref_squeeze %dma_start3A_51 : memref<1x128xi32, #tpu.memory_space<vmem>> -> memref<128xi32, #tpu.memory_space<vmem>>
      %dma_start3A_53 = arith.constant 0 : i32
      %dma_start3A_54 = arith.constant 0 : i32
      %dma_start3A_55 = tpu.memref_slice %arg2[%dma_start3A_53, %dma_start3A_54] : memref<10000x32xf32, #tpu.memory_space<hbm>> -> memref<10000x32xf32, #tpu.memory_space<hbm>>
      tpu.enqueue_indirect_dma source(%dma_start3A_55 : memref<10000x32xf32, #tpu.memory_space<hbm>>) target(%arg10 : memref<128x32xf32, #tpu.memory_space<vmem>>) offsets(%dma_start3A_52 : memref<128xi32, #tpu.memory_space<vmem>>) semaphore(%arg13 : memref<!tpu.dma_semaphore, #tpu.memory_space<semaphore_mem>>)
      %dma_wait3A = arith.constant 0 : i32
      %dma_wait3A_56 = tpu.memref_slice %arg7[%scan3A_50, %dma_wait3A] : memref<40x128xi32, #tpu.memory_space<vmem>> -> memref<1x128xi32, #tpu.memory_space<vmem>>
      %dma_wait3A_57 = tpu.memref_squeeze %dma_wait3A_56 : memref<1x128xi32, #tpu.memory_space<vmem>> -> memref<128xi32, #tpu.memory_space<vmem>>
      %dma_wait3A_58 = arith.constant 0 : i32
      %dma_wait3A_59 = arith.constant 0 : i32
      %dma_wait3A_60 = tpu.memref_slice %arg2[%dma_wait3A_58, %dma_wait3A_59] : memref<10000x32xf32, #tpu.memory_space<hbm>> -> memref<10000x32xf32, #tpu.memory_space<hbm>>
      tpu.wait_indirect_dma semaphore(%arg13 : memref<!tpu.dma_semaphore, #tpu.memory_space<semaphore_mem>>) src(%dma_wait3A_60 : memref<10000x32xf32, #tpu.memory_space<hbm>>) dst(%arg10 : memref<128x32xf32, #tpu.memory_space<vmem>>)
      %mul3A_61 = arith.constant 128 : i32
      %mul3A_62 = arith.muli %scan3A_50, %mul3A_61 : i32
      %scan3A_63 = arith.constant 0 : i32
      %scan3A_64 = arith.constant 0 : i32
      %scan3A_65 = arith.constant 128 : i32
      %scan3A_66 = arith.addi %scan3A_64, %scan3A_65 : i32
      %scan3A_67 = arith.constant 1 : i32
      scf.for %scan3A_69 = %scan3A_64 to %scan3A_66 step %scan3A_67  : i32 {
        %add3A_70 = arith.addi %mul3A_62, %scan3A_69 : i32
        %broadcast_in_dim3A_71 = vector.broadcast %add3A_70 : i32 to vector<16xi32>
        %gather3A = tpu.vector_load_idx %arg9[%broadcast_in_dim3A_71] : memref<5120xf32, #tpu.memory_space<vmem>>[vector<16xi32>], vector<16xf32>,
        %get3A = arith.index_cast %scan3A_69 : i32 to index
        %get3A_72 = arith.constant 0 : index
        %get3A_73 = tpu.vector_load %arg10[%get3A, %get3A_72] {strides = array<i32>} : memref<128x32xf32, #tpu.memory_space<vmem>>, vector<16xf32>,
        %get3A_74 = arith.index_cast %scan3A_69 : i32 to index
        %get3A_75 = arith.constant 16 : index
        %get3A_76 = tpu.vector_load %arg10[%get3A_74, %get3A_75] {strides = array<i32>} : memref<128x32xf32, #tpu.memory_space<vmem>>, vector<16xf32>,
        %mul3A_77 = arith.mulf %gather3A, %get3A_73 : vector<16xf32>
        %add3A_78 = arith.addf %mul3A_77, %get3A_76 : vector<16xf32>
        %swap3A = arith.index_cast %scan3A_69 : i32 to index
        %swap3A_79 = arith.constant 0 : index
        %swap3A_80 = tpu.vector_load %arg11[%swap3A, %swap3A_79] {strides = array<i32>} : memref<128x32xf32, #tpu.memory_space<vmem>>, vector<16xf32>,
        tpu.vector_store %arg11[%swap3A, %swap3A_79], %add3A_78 {strides = array<i32>} : memref<128x32xf32, #tpu.memory_space<vmem>>, vector<16xf32>,
      }
      %scan3A_68 = arith.constant 128 : i32
      "tpu.region"() ({
        %run_scoped3A = tpu.sem_alloc : memref<!tpu.dma_semaphore, #tpu.memory_space<semaphore_mem>>
        %dma_start3A_69 = arith.constant 0 : i32
        %dma_start3A_70 = tpu.memref_slice %arg8[%scan3A_50, %dma_start3A_69] : memref<40x128xi32, #tpu.memory_space<vmem>> -> memref<1x128xi32, #tpu.memory_space<vmem>>
        %dma_start3A_71 = tpu.memref_squeeze %dma_start3A_70 : memref<1x128xi32, #tpu.memory_space<vmem>> -> memref<128xi32, #tpu.memory_space<vmem>>
        %dma_start3A_72 = arith.constant 0 : i32
        %dma_start3A_73 = arith.constant 0 : i32
        %dma_start3A_74 = tpu.memref_slice %arg12[%dma_start3A_72, %dma_start3A_73] : memref<10240x32xf32, #tpu.memory_space<vmem_shared>> -> memref<10240x32xf32, #tpu.memory_space<vmem_shared>>
        tpu.enqueue_indirect_dma source(%arg11 : memref<128x32xf32, #tpu.memory_space<vmem>>) target(%dma_start3A_74 : memref<10240x32xf32, #tpu.memory_space<vmem_shared>>) offsets(%dma_start3A_71 : memref<128xi32, #tpu.memory_space<vmem>>) semaphore(%run_scoped3A : memref<!tpu.dma_semaphore, #tpu.memory_space<semaphore_mem>>) {add = true}
        %dma_wait3A_75 = arith.constant 0 : i32
        %dma_wait3A_76 = tpu.memref_slice %arg8[%scan3A_50, %dma_wait3A_75] : memref<40x128xi32, #tpu.memory_space<vmem>> -> memref<1x128xi32, #tpu.memory_space<vmem>>
        %dma_wait3A_77 = tpu.memref_squeeze %dma_wait3A_76 : memref<1x128xi32, #tpu.memory_space<vmem>> -> memref<128xi32, #tpu.memory_space<vmem>>
        %dma_wait3A_78 = arith.constant 0 : i32
        %dma_wait3A_79 = arith.constant 0 : i32
        %dma_wait3A_80 = tpu.memref_slice %arg12[%dma_wait3A_78, %dma_wait3A_79] : memref<10240x32xf32, #tpu.memory_space<vmem_shared>> -> memref<10240x32xf32, #tpu.memory_space<vmem_shared>>
        tpu.wait_indirect_dma semaphore(%run_scoped3A : memref<!tpu.dma_semaphore, #tpu.memory_space<semaphore_mem>>) src(%arg11 : memref<128x32xf32, #tpu.memory_space<vmem>>) dst(%dma_wait3A_80 : memref<10240x32xf32, #tpu.memory_space<vmem_shared>>)
        tpu.yield
      }) : () -> ()
    }
    %scan3A_44 = arith.constant 40 : i32
    %barrier3A_45 = arith.constant 0 : index
    tpu.barrier barrier_id(%barrier3A_45)
    %mul3A_46 = arith.constant 640 : i32
    %mul3A_47 = arith.muli %arg1, %mul3A_46 : i32
    %mul3A_48 = arith.constant 640 : i32
    %mul3A_49 = arith.muli %arg1, %mul3A_48 : i32
    "tpu.region"() ({
      %run_scoped3A = tpu.sem_alloc : memref<!tpu.dma_semaphore, #tpu.memory_space<semaphore_mem>>
      %dma_start3A = arith.constant 0 : i32
      %dma_start3A_50 = tpu.memref_slice %arg6[%arg0, %mul3A_49, %dma_start3A] : memref<2x10240x32xf32, #tpu.memory_space<hbm>> -> memref<1x640x32xf32, #tpu.memory_space<hbm>>
      %dma_start3A_51 = tpu.memref_squeeze %dma_start3A_50 : memref<1x640x32xf32, #tpu.memory_space<hbm>> -> memref<640x32xf32, #tpu.memory_space<hbm>>
      %dma_start3A_52 = arith.constant 0 : i32
      %dma_start3A_53 = tpu.memref_slice %arg12[%mul3A_47, %dma_start3A_52] : memref<10240x32xf32, #tpu.memory_space<vmem_shared>> -> memref<640x32xf32, #tpu.memory_space<vmem_shared>>
      tpu.enqueue_dma source(%dma_start3A_53 : memref<640x32xf32, #tpu.memory_space<vmem_shared>>) target(%dma_start3A_51 : memref<640x32xf32, #tpu.memory_space<hbm>>) target_semaphore(%run_scoped3A : memref<!tpu.dma_semaphore, #tpu.memory_space<semaphore_mem>>)
      %dma_wait3A = arith.constant 0 : i32
      %dma_wait3A_54 = tpu.memref_slice %arg6[%arg0, %mul3A_49, %dma_wait3A] : memref<2x10240x32xf32, #tpu.memory_space<hbm>> -> memref<1x640x32xf32, #tpu.memory_space<hbm>>
      %dma_wait3A_55 = tpu.memref_squeeze %dma_wait3A_54 : memref<1x640x32xf32, #tpu.memory_space<hbm>> -> memref<640x32xf32, #tpu.memory_space<hbm>>
      %dma_wait3A_56 = arith.constant 0 : i32
      %dma_wait3A_57 = tpu.memref_slice %arg12[%mul3A_47, %dma_wait3A_56] : memref<10240x32xf32, #tpu.memory_space<vmem_shared>> -> memref<640x32xf32, #tpu.memory_space<vmem_shared>>
      tpu.wait_dma2 semaphore(%run_scoped3A : memref<!tpu.dma_semaphore, #tpu.memory_space<semaphore_mem>>) src(%dma_wait3A_57 : memref<640x32xf32, #tpu.memory_space<vmem_shared>>) dst(%dma_wait3A_55 : memref<640x32xf32, #tpu.memory_space<hbm>>)
      tpu.yield
    }) : () -> ()
    return
  }
}

#map = affine_map<(d0, d1) -> (0, 0)>
#map1 = affine_map<(d0, d1) -> (0)>
#map2 = affine_map<(d0, d1) -> (0, 0, 0)>
module attributes {stable_mosaic.version = 14 : i64} {
  func.func @sc_kernel(%arg0: i32, %arg1: i32, %arg2: memref<10000x32xf32, #tpu.memory_space<hbm>>, %arg3: memref<1280x128xi32, #tpu.memory_space<hbm>>, %arg4: memref<1280x128xi32, #tpu.memory_space<hbm>>, %arg5: memref<163840xf32, #tpu.memory_space<hbm>>, %arg6: memref<2x10240x32xf32, #tpu.memory_space<hbm>>, %arg7: memref<40x128xi32, #tpu.memory_space<vmem>>, %arg8: memref<40x128xi32, #tpu.memory_space<vmem>>, %arg9: memref<5120xf32, #tpu.memory_space<vmem>>, %arg10: memref<128x32xf32, #tpu.memory_space<vmem>>, %arg11: memref<128x32xf32, #tpu.memory_space<vmem>>, %arg12: memref<10240x32xf32, #tpu.memory_space<vmem_shared>>, %arg13: memref<!tpu.dma_semaphore, #tpu.memory_space<semaphore_mem>>) attributes {dimension_semantics = [#tpu.dimension_semantics<core_parallel>, #tpu.dimension_semantics<subcore_parallel>], iteration_bounds = array<i64: 2, 16>, scalar_prefetch = 0 : i64, scratch_operands = 7 : i64, tpu.core_type = #tpu.core_type<sc_vector_subcore>, window_params = [{transform_indices = #map}, {transform_indices = #map}, {transform_indices = #map}, {transform_indices = #map1}, {transform_indices = #map2}]} {
    %mul3A = arith.constant 2 : i32
    %mul3A_0 = arith.muli %arg1, %mul3A : i32
    %add3A = arith.addi %mul3A_0, %arg0 : i32
    %broadcast_in_dim3A = arith.constant 0.000000e+00 : f32
    %broadcast_in_dim3A_1 = vector.broadcast %broadcast_in_dim3A : f32 to vector<16xf32>
    %broadcast_in_dim3A_2 = arith.constant 1.000000e+00 : f32
    %broadcast_in_dim3A_3 = vector.broadcast %broadcast_in_dim3A_2 : f32 to vector<16xf32>
    %scan3A = arith.constant 0 : i32
    %scan3A_4 = arith.constant 0 : i32
    %scan3A_5 = arith.constant 128 : i32
    %scan3A_6 = arith.addi %scan3A_4, %scan3A_5 : i32
    %scan3A_7 = arith.constant 1 : i32
    scf.for %scan3A_50 = %scan3A_4 to %scan3A_6 step %scan3A_7  : i32 {
      %swap3A = arith.index_cast %scan3A_50 : i32 to index
      %swap3A_51 = arith.constant 0 : index
      %swap3A_52 = tpu.vector_load %arg11[%swap3A, %swap3A_51] {strides = array<i32>} : memref<128x32xf32, #tpu.memory_space<vmem>>, vector<16xf32>,
      tpu.vector_store %arg11[%swap3A, %swap3A_51], %broadcast_in_dim3A_1 {strides = array<i32>} : memref<128x32xf32, #tpu.memory_space<vmem>>, vector<16xf32>,
      %swap3A_53 = arith.index_cast %scan3A_50 : i32 to index
      %swap3A_54 = arith.constant 16 : index
      %swap3A_55 = tpu.vector_load %arg11[%swap3A_53, %swap3A_54] {strides = array<i32>} : memref<128x32xf32, #tpu.memory_space<vmem>>, vector<16xf32>,
      tpu.vector_store %arg11[%swap3A_53, %swap3A_54], %broadcast_in_dim3A_1 {strides = array<i32>} : memref<128x32xf32, #tpu.memory_space<vmem>>, vector<16xf32>,
    }
    %scan3A_8 = arith.constant 128 : i32
    %mul3A_9 = arith.constant 640 : i32
    %mul3A_10 = arith.muli %arg1, %mul3A_9 : i32
    %add3A_11 = arith.constant 0 : i32
    %add3A_12 = arith.addi %mul3A_10, %add3A_11 : i32
    "tpu.region"() ({
      %run_scoped3A = tpu.sem_alloc : memref<!tpu.dma_semaphore, #tpu.memory_space<semaphore_mem>>
      %dma_start3A = arith.constant 0 : i32
      %dma_start3A_50 = tpu.memref_slice %arg12[%add3A_12, %dma_start3A] : memref<10240x32xf32, #tpu.memory_space<vmem_shared>> -> memref<128x32xf32, #tpu.memory_space<vmem_shared>>
      %dma_start3A_51 = arith.constant 0 : i32
      %dma_start3A_52 = tpu.memref_slice %arg12[%add3A_12, %dma_start3A_51] : memref<10240x32xf32, #tpu.memory_space<vmem_shared>> -> memref<128x32xf32, #tpu.memory_space<vmem_shared>>
      tpu.enqueue_dma source(%arg11 : memref<128x32xf32, #tpu.memory_space<vmem>>) target(%dma_start3A_52 : memref<128x32xf32, #tpu.memory_space<vmem_shared>>) target_semaphore(%run_scoped3A : memref<!tpu.dma_semaphore, #tpu.memory_space<semaphore_mem>>)
      %dma_wait3A = arith.constant 0 : i32
      %dma_wait3A_53 = tpu.memref_slice %arg12[%add3A_12, %dma_wait3A] : memref<10240x32xf32, #tpu.memory_space<vmem_shared>> -> memref<128x32xf32, #tpu.memory_space<vmem_shared>>
      %dma_wait3A_54 = arith.constant 0 : i32
      %dma_wait3A_55 = tpu.memref_slice %arg12[%add3A_12, %dma_wait3A_54] : memref<10240x32xf32, #tpu.memory_space<vmem_shared>> -> memref<128x32xf32, #tpu.memory_space<vmem_shared>>
      tpu.wait_dma2 semaphore(%run_scoped3A : memref<!tpu.dma_semaphore, #tpu.memory_space<semaphore_mem>>) src(%arg11 : memref<128x32xf32, #tpu.memory_space<vmem>>) dst(%dma_wait3A_55 : memref<128x32xf32, #tpu.memory_space<vmem_shared>>)
      tpu.yield
    }) : () -> ()
    %mul3A_13 = arith.constant 640 : i32
    %mul3A_14 = arith.muli %arg1, %mul3A_13 : i32
    %add3A_15 = arith.constant 128 : i32
    %add3A_16 = arith.addi %mul3A_14, %add3A_15 : i32
    "tpu.region"() ({
      %run_scoped3A = tpu.sem_alloc : memref<!tpu.dma_semaphore, #tpu.memory_space<semaphore_mem>>
      %dma_start3A = arith.constant 0 : i32
      %dma_start3A_50 = tpu.memref_slice %arg12[%add3A_16, %dma_start3A] : memref<10240x32xf32, #tpu.memory_space<vmem_shared>> -> memref<128x32xf32, #tpu.memory_space<vmem_shared>>
      %dma_start3A_51 = arith.constant 0 : i32
      %dma_start3A_52 = tpu.memref_slice %arg12[%add3A_16, %dma_start3A_51] : memref<10240x32xf32, #tpu.memory_space<vmem_shared>> -> memref<128x32xf32, #tpu.memory_space<vmem_shared>>
      tpu.enqueue_dma source(%arg11 : memref<128x32xf32, #tpu.memory_space<vmem>>) target(%dma_start3A_52 : memref<128x32xf32, #tpu.memory_space<vmem_shared>>) target_semaphore(%run_scoped3A : memref<!tpu.dma_semaphore, #tpu.memory_space<semaphore_mem>>)
      %dma_wait3A = arith.constant 0 : i32
      %dma_wait3A_53 = tpu.memref_slice %arg12[%add3A_16, %dma_wait3A] : memref<10240x32xf32, #tpu.memory_space<vmem_shared>> -> memref<128x32xf32, #tpu.memory_space<vmem_shared>>
      %dma_wait3A_54 = arith.constant 0 : i32
      %dma_wait3A_55 = tpu.memref_slice %arg12[%add3A_16, %dma_wait3A_54] : memref<10240x32xf32, #tpu.memory_space<vmem_shared>> -> memref<128x32xf32, #tpu.memory_space<vmem_shared>>
      tpu.wait_dma2 semaphore(%run_scoped3A : memref<!tpu.dma_semaphore, #tpu.memory_space<semaphore_mem>>) src(%arg11 : memref<128x32xf32, #tpu.memory_space<vmem>>) dst(%dma_wait3A_55 : memref<128x32xf32, #tpu.memory_space<vmem_shared>>)
      tpu.yield
    }) : () -> ()
    %mul3A_17 = arith.constant 640 : i32
    %mul3A_18 = arith.muli %arg1, %mul3A_17 : i32
    %add3A_19 = arith.constant 256 : i32
    %add3A_20 = arith.addi %mul3A_18, %add3A_19 : i32
    "tpu.region"() ({
      %run_scoped3A = tpu.sem_alloc : memref<!tpu.dma_semaphore, #tpu.memory_space<semaphore_mem>>
      %dma_start3A = arith.constant 0 : i32
      %dma_start3A_50 = tpu.memref_slice %arg12[%add3A_20, %dma_start3A] : memref<10240x32xf32, #tpu.memory_space<vmem_shared>> -> memref<128x32xf32, #tpu.memory_space<vmem_shared>>
      %dma_start3A_51 = arith.constant 0 : i32
      %dma_start3A_52 = tpu.memref_slice %arg12[%add3A_20, %dma_start3A_51] : memref<10240x32xf32, #tpu.memory_space<vmem_shared>> -> memref<128x32xf32, #tpu.memory_space<vmem_shared>>
      tpu.enqueue_dma source(%arg11 : memref<128x32xf32, #tpu.memory_space<vmem>>) target(%dma_start3A_52 : memref<128x32xf32, #tpu.memory_space<vmem_shared>>) target_semaphore(%run_scoped3A : memref<!tpu.dma_semaphore, #tpu.memory_space<semaphore_mem>>)
      %dma_wait3A = arith.constant 0 : i32
      %dma_wait3A_53 = tpu.memref_slice %arg12[%add3A_20, %dma_wait3A] : memref<10240x32xf32, #tpu.memory_space<vmem_shared>> -> memref<128x32xf32, #tpu.memory_space<vmem_shared>>
      %dma_wait3A_54 = arith.constant 0 : i32
      %dma_wait3A_55 = tpu.memref_slice %arg12[%add3A_20, %dma_wait3A_54] : memref<10240x32xf32, #tpu.memory_space<vmem_shared>> -> memref<128x32xf32, #tpu.memory_space<vmem_shared>>
      tpu.wait_dma2 semaphore(%run_scoped3A : memref<!tpu.dma_semaphore, #tpu.memory_space<semaphore_mem>>) src(%arg11 : memref<128x32xf32, #tpu.memory_space<vmem>>) dst(%dma_wait3A_55 : memref<128x32xf32, #tpu.memory_space<vmem_shared>>)
      tpu.yield
    }) : () -> ()
    %mul3A_21 = arith.constant 640 : i32
    %mul3A_22 = arith.muli %arg1, %mul3A_21 : i32
    %add3A_23 = arith.constant 384 : i32
    %add3A_24 = arith.addi %mul3A_22, %add3A_23 : i32
    "tpu.region"() ({
      %run_scoped3A = tpu.sem_alloc : memref<!tpu.dma_semaphore, #tpu.memory_space<semaphore_mem>>
      %dma_start3A = arith.constant 0 : i32
      %dma_start3A_50 = tpu.memref_slice %arg12[%add3A_24, %dma_start3A] : memref<10240x32xf32, #tpu.memory_space<vmem_shared>> -> memref<128x32xf32, #tpu.memory_space<vmem_shared>>
      %dma_start3A_51 = arith.constant 0 : i32
      %dma_start3A_52 = tpu.memref_slice %arg12[%add3A_24, %dma_start3A_51] : memref<10240x32xf32, #tpu.memory_space<vmem_shared>> -> memref<128x32xf32, #tpu.memory_space<vmem_shared>>
      tpu.enqueue_dma source(%arg11 : memref<128x32xf32, #tpu.memory_space<vmem>>) target(%dma_start3A_52 : memref<128x32xf32, #tpu.memory_space<vmem_shared>>) target_semaphore(%run_scoped3A : memref<!tpu.dma_semaphore, #tpu.memory_space<semaphore_mem>>)
      %dma_wait3A = arith.constant 0 : i32
      %dma_wait3A_53 = tpu.memref_slice %arg12[%add3A_24, %dma_wait3A] : memref<10240x32xf32, #tpu.memory_space<vmem_shared>> -> memref<128x32xf32, #tpu.memory_space<vmem_shared>>
      %dma_wait3A_54 = arith.constant 0 : i32
      %dma_wait3A_55 = tpu.memref_slice %arg12[%add3A_24, %dma_wait3A_54] : memref<10240x32xf32, #tpu.memory_space<vmem_shared>> -> memref<128x32xf32, #tpu.memory_space<vmem_shared>>
      tpu.wait_dma2 semaphore(%run_scoped3A : memref<!tpu.dma_semaphore, #tpu.memory_space<semaphore_mem>>) src(%arg11 : memref<128x32xf32, #tpu.memory_space<vmem>>) dst(%dma_wait3A_55 : memref<128x32xf32, #tpu.memory_space<vmem_shared>>)
      tpu.yield
    }) : () -> ()
    %mul3A_25 = arith.constant 640 : i32
    %mul3A_26 = arith.muli %arg1, %mul3A_25 : i32
    %add3A_27 = arith.constant 512 : i32
    %add3A_28 = arith.addi %mul3A_26, %add3A_27 : i32
    "tpu.region"() ({
      %run_scoped3A = tpu.sem_alloc : memref<!tpu.dma_semaphore, #tpu.memory_space<semaphore_mem>>
      %dma_start3A = arith.constant 0 : i32
      %dma_start3A_50 = tpu.memref_slice %arg12[%add3A_28, %dma_start3A] : memref<10240x32xf32, #tpu.memory_space<vmem_shared>> -> memref<128x32xf32, #tpu.memory_space<vmem_shared>>
      %dma_start3A_51 = arith.constant 0 : i32
      %dma_start3A_52 = tpu.memref_slice %arg12[%add3A_28, %dma_start3A_51] : memref<10240x32xf32, #tpu.memory_space<vmem_shared>> -> memref<128x32xf32, #tpu.memory_space<vmem_shared>>
      tpu.enqueue_dma source(%arg11 : memref<128x32xf32, #tpu.memory_space<vmem>>) target(%dma_start3A_52 : memref<128x32xf32, #tpu.memory_space<vmem_shared>>) target_semaphore(%run_scoped3A : memref<!tpu.dma_semaphore, #tpu.memory_space<semaphore_mem>>)
      %dma_wait3A = arith.constant 0 : i32
      %dma_wait3A_53 = tpu.memref_slice %arg12[%add3A_28, %dma_wait3A] : memref<10240x32xf32, #tpu.memory_space<vmem_shared>> -> memref<128x32xf32, #tpu.memory_space<vmem_shared>>
      %dma_wait3A_54 = arith.constant 0 : i32
      %dma_wait3A_55 = tpu.memref_slice %arg12[%add3A_28, %dma_wait3A_54] : memref<10240x32xf32, #tpu.memory_space<vmem_shared>> -> memref<128x32xf32, #tpu.memory_space<vmem_shared>>
      tpu.wait_dma2 semaphore(%run_scoped3A : memref<!tpu.dma_semaphore, #tpu.memory_space<semaphore_mem>>) src(%arg11 : memref<128x32xf32, #tpu.memory_space<vmem>>) dst(%dma_wait3A_55 : memref<128x32xf32, #tpu.memory_space<vmem_shared>>)
      tpu.yield
    }) : () -> ()
    %scan3A_29 = arith.constant 0 : i32
    %scan3A_30 = arith.constant 0 : i32
    %scan3A_31 = arith.constant 128 : i32
    %scan3A_32 = arith.addi %scan3A_30, %scan3A_31 : i32
    %scan3A_33 = arith.constant 1 : i32
    scf.for %scan3A_50 = %scan3A_30 to %scan3A_32 step %scan3A_33  : i32 {
      %swap3A = arith.index_cast %scan3A_50 : i32 to index
      %swap3A_51 = arith.constant 16 : index
      %swap3A_52 = tpu.vector_load %arg11[%swap3A, %swap3A_51] {strides = array<i32>} : memref<128x32xf32, #tpu.memory_space<vmem>>, vector<16xf32>,
      tpu.vector_store %arg11[%swap3A, %swap3A_51], %broadcast_in_dim3A_3 {strides = array<i32>} : memref<128x32xf32, #tpu.memory_space<vmem>>, vector<16xf32>,
    }
    %scan3A_34 = arith.constant 128 : i32
    %mul3A_35 = arith.constant 40 : i32
    %mul3A_36 = arith.muli %add3A, %mul3A_35 : i32
    "tpu.region"() ({
      %run_scoped3A = tpu.sem_alloc : memref<!tpu.dma_semaphore, #tpu.memory_space<semaphore_mem>>
      %dma_start3A = arith.constant 0 : i32
      %dma_start3A_50 = tpu.memref_slice %arg3[%mul3A_36, %dma_start3A] : memref<1280x128xi32, #tpu.memory_space<hbm>> -> memref<40x128xi32, #tpu.memory_space<hbm>>
      %dma_start3A_51 = arith.constant 0 : i32
      %dma_start3A_52 = tpu.memref_slice %arg3[%mul3A_36, %dma_start3A_51] : memref<1280x128xi32, #tpu.memory_space<hbm>> -> memref<40x128xi32, #tpu.memory_space<hbm>>
      tpu.enqueue_dma source(%dma_start3A_52 : memref<40x128xi32, #tpu.memory_space<hbm>>) target(%arg7 : memref<40x128xi32, #tpu.memory_space<vmem>>) target_semaphore(%run_scoped3A : memref<!tpu.dma_semaphore, #tpu.memory_space<semaphore_mem>>)
      %dma_wait3A = arith.constant 0 : i32
      %dma_wait3A_53 = tpu.memref_slice %arg3[%mul3A_36, %dma_wait3A] : memref<1280x128xi32, #tpu.memory_space<hbm>> -> memref<40x128xi32, #tpu.memory_space<hbm>>
      %dma_wait3A_54 = arith.constant 0 : i32
      %dma_wait3A_55 = tpu.memref_slice %arg3[%mul3A_36, %dma_wait3A_54] : memref<1280x128xi32, #tpu.memory_space<hbm>> -> memref<40x128xi32, #tpu.memory_space<hbm>>
      tpu.wait_dma2 semaphore(%run_scoped3A : memref<!tpu.dma_semaphore, #tpu.memory_space<semaphore_mem>>) src(%dma_wait3A_55 : memref<40x128xi32, #tpu.memory_space<hbm>>) dst(%arg7 : memref<40x128xi32, #tpu.memory_space<vmem>>)
      tpu.yield
    }) : () -> ()
    "tpu.region"() ({
      %run_scoped3A = tpu.sem_alloc : memref<!tpu.dma_semaphore, #tpu.memory_space<semaphore_mem>>
      %dma_start3A = arith.constant 0 : i32
      %dma_start3A_50 = tpu.memref_slice %arg4[%mul3A_36, %dma_start3A] : memref<1280x128xi32, #tpu.memory_space<hbm>> -> memref<40x128xi32, #tpu.memory_space<hbm>>
      %dma_start3A_51 = arith.constant 0 : i32
      %dma_start3A_52 = tpu.memref_slice %arg4[%mul3A_36, %dma_start3A_51] : memref<1280x128xi32, #tpu.memory_space<hbm>> -> memref<40x128xi32, #tpu.memory_space<hbm>>
      tpu.enqueue_dma source(%dma_start3A_52 : memref<40x128xi32, #tpu.memory_space<hbm>>) target(%arg8 : memref<40x128xi32, #tpu.memory_space<vmem>>) target_semaphore(%run_scoped3A : memref<!tpu.dma_semaphore, #tpu.memory_space<semaphore_mem>>)
      %dma_wait3A = arith.constant 0 : i32
      %dma_wait3A_53 = tpu.memref_slice %arg4[%mul3A_36, %dma_wait3A] : memref<1280x128xi32, #tpu.memory_space<hbm>> -> memref<40x128xi32, #tpu.memory_space<hbm>>
      %dma_wait3A_54 = arith.constant 0 : i32
      %dma_wait3A_55 = tpu.memref_slice %arg4[%mul3A_36, %dma_wait3A_54] : memref<1280x128xi32, #tpu.memory_space<hbm>> -> memref<40x128xi32, #tpu.memory_space<hbm>>
      tpu.wait_dma2 semaphore(%run_scoped3A : memref<!tpu.dma_semaphore, #tpu.memory_space<semaphore_mem>>) src(%dma_wait3A_55 : memref<40x128xi32, #tpu.memory_space<hbm>>) dst(%arg8 : memref<40x128xi32, #tpu.memory_space<vmem>>)
      tpu.yield
    }) : () -> ()
    %mul3A_37 = arith.constant 128 : i32
    %mul3A_38 = arith.muli %mul3A_36, %mul3A_37 : i32
    "tpu.region"() ({
      %run_scoped3A = tpu.sem_alloc : memref<!tpu.dma_semaphore, #tpu.memory_space<semaphore_mem>>
      %dma_start3A = tpu.memref_slice %arg5[%mul3A_38] : memref<163840xf32, #tpu.memory_space<hbm>> -> memref<5120xf32, #tpu.memory_space<hbm>>
      %dma_start3A_50 = tpu.memref_slice %arg5[%mul3A_38] : memref<163840xf32, #tpu.memory_space<hbm>> -> memref<5120xf32, #tpu.memory_space<hbm>>
      tpu.enqueue_dma source(%dma_start3A_50 : memref<5120xf32, #tpu.memory_space<hbm>>) target(%arg9 : memref<5120xf32, #tpu.memory_space<vmem>>) target_semaphore(%run_scoped3A : memref<!tpu.dma_semaphore, #tpu.memory_space<semaphore_mem>>)
      %dma_wait3A = tpu.memref_slice %arg5[%mul3A_38] : memref<163840xf32, #tpu.memory_space<hbm>> -> memref<5120xf32, #tpu.memory_space<hbm>>
      %dma_wait3A_51 = tpu.memref_slice %arg5[%mul3A_38] : memref<163840xf32, #tpu.memory_space<hbm>> -> memref<5120xf32, #tpu.memory_space<hbm>>
      tpu.wait_dma2 semaphore(%run_scoped3A : memref<!tpu.dma_semaphore, #tpu.memory_space<semaphore_mem>>) src(%dma_wait3A_51 : memref<5120xf32, #tpu.memory_space<hbm>>) dst(%arg9 : memref<5120xf32, #tpu.memory_space<vmem>>)
      tpu.yield
    }) : () -> ()
    %barrier3A = arith.constant 0 : index
    tpu.barrier barrier_id(%barrier3A)
    %scan3A_39 = arith.constant 0 : i32
    %scan3A_40 = arith.constant 0 : i32
    %scan3A_41 = arith.constant 40 : i32
    %scan3A_42 = arith.addi %scan3A_40, %scan3A_41 : i32
    %scan3A_43 = arith.constant 1 : i32
    scf.for %scan3A_50 = %scan3A_40 to %scan3A_42 step %scan3A_43  : i32 {
      %dma_start3A = arith.constant 0 : i32
      %dma_start3A_51 = tpu.memref_slice %arg7[%scan3A_50, %dma_start3A] : memref<40x128xi32, #tpu.memory_space<vmem>> -> memref<1x128xi32, #tpu.memory_space<vmem>>
      %dma_start3A_52 = tpu.memref_squeeze %dma_start3A_51 : memref<1x128xi32, #tpu.memory_space<vmem>> -> memref<128xi32, #tpu.memory_space<vmem>>
      %dma_start3A_53 = arith.constant 0 : i32
      %dma_start3A_54 = arith.constant 0 : i32
      %dma_start3A_55 = tpu.memref_slice %arg2[%dma_start3A_53, %dma_start3A_54] : memref<10000x32xf32, #tpu.memory_space<hbm>> -> memref<10000x32xf32, #tpu.memory_space<hbm>>
      tpu.enqueue_indirect_dma source(%dma_start3A_55 : memref<10000x32xf32, #tpu.memory_space<hbm>>) target(%arg10 : memref<128x32xf32, #tpu.memory_space<vmem>>) offsets(%dma_start3A_52 : memref<128xi32, #tpu.memory_space<vmem>>) semaphore(%arg13 : memref<!tpu.dma_semaphore, #tpu.memory_space<semaphore_mem>>)
      %dma_wait3A = arith.constant 0 : i32
      %dma_wait3A_56 = tpu.memref_slice %arg7[%scan3A_50, %dma_wait3A] : memref<40x128xi32, #tpu.memory_space<vmem>> -> memref<1x128xi32, #tpu.memory_space<vmem>>
      %dma_wait3A_57 = tpu.memref_squeeze %dma_wait3A_56 : memref<1x128xi32, #tpu.memory_space<vmem>> -> memref<128xi32, #tpu.memory_space<vmem>>
      %dma_wait3A_58 = arith.constant 0 : i32
      %dma_wait3A_59 = arith.constant 0 : i32
      %dma_wait3A_60 = tpu.memref_slice %arg2[%dma_wait3A_58, %dma_wait3A_59] : memref<10000x32xf32, #tpu.memory_space<hbm>> -> memref<10000x32xf32, #tpu.memory_space<hbm>>
      tpu.wait_indirect_dma semaphore(%arg13 : memref<!tpu.dma_semaphore, #tpu.memory_space<semaphore_mem>>) src(%dma_wait3A_60 : memref<10000x32xf32, #tpu.memory_space<hbm>>) dst(%arg10 : memref<128x32xf32, #tpu.memory_space<vmem>>)
      %mul3A_61 = arith.constant 128 : i32
      %mul3A_62 = arith.muli %scan3A_50, %mul3A_61 : i32
      %scan3A_63 = arith.constant 0 : i32
      %scan3A_64 = arith.constant 0 : i32
      %scan3A_65 = arith.constant 128 : i32
      %scan3A_66 = arith.addi %scan3A_64, %scan3A_65 : i32
      %scan3A_67 = arith.constant 1 : i32
      scf.for %scan3A_69 = %scan3A_64 to %scan3A_66 step %scan3A_67  : i32 {
        %add3A_70 = arith.addi %mul3A_62, %scan3A_69 : i32
        %broadcast_in_dim3A_71 = vector.broadcast %add3A_70 : i32 to vector<16xi32>
        %gather3A = tpu.vector_load_idx %arg9[%broadcast_in_dim3A_71] : memref<5120xf32, #tpu.memory_space<vmem>>[vector<16xi32>], vector<16xf32>,
        %get3A = arith.index_cast %scan3A_69 : i32 to index
        %get3A_72 = arith.constant 0 : index
        %get3A_73 = tpu.vector_load %arg10[%get3A, %get3A_72] {strides = array<i32>} : memref<128x32xf32, #tpu.memory_space<vmem>>, vector<16xf32>,
        %get3A_74 = arith.index_cast %scan3A_69 : i32 to index
        %get3A_75 = arith.constant 16 : index
        %get3A_76 = tpu.vector_load %arg10[%get3A_74, %get3A_75] {strides = array<i32>} : memref<128x32xf32, #tpu.memory_space<vmem>>, vector<16xf32>,
        %mul3A_77 = arith.mulf %gather3A, %get3A_73 : vector<16xf32>
        %add3A_78 = arith.addf %mul3A_77, %get3A_76 : vector<16xf32>
        %swap3A = arith.index_cast %scan3A_69 : i32 to index
        %swap3A_79 = arith.constant 0 : index
        %swap3A_80 = tpu.vector_load %arg11[%swap3A, %swap3A_79] {strides = array<i32>} : memref<128x32xf32, #tpu.memory_space<vmem>>, vector<16xf32>,
        tpu.vector_store %arg11[%swap3A, %swap3A_79], %add3A_78 {strides = array<i32>} : memref<128x32xf32, #tpu.memory_space<vmem>>, vector<16xf32>,
      }
      %scan3A_68 = arith.constant 128 : i32
      "tpu.region"() ({
        %run_scoped3A = tpu.sem_alloc : memref<!tpu.dma_semaphore, #tpu.memory_space<semaphore_mem>>
        %dma_start3A_69 = arith.constant 0 : i32
        %dma_start3A_70 = tpu.memref_slice %arg8[%scan3A_50, %dma_start3A_69] : memref<40x128xi32, #tpu.memory_space<vmem>> -> memref<1x128xi32, #tpu.memory_space<vmem>>
        %dma_start3A_71 = tpu.memref_squeeze %dma_start3A_70 : memref<1x128xi32, #tpu.memory_space<vmem>> -> memref<128xi32, #tpu.memory_space<vmem>>
        %dma_start3A_72 = arith.constant 0 : i32
        %dma_start3A_73 = arith.constant 0 : i32
        %dma_start3A_74 = tpu.memref_slice %arg12[%dma_start3A_72, %dma_start3A_73] : memref<10240x32xf32, #tpu.memory_space<vmem_shared>> -> memref<10240x32xf32, #tpu.memory_space<vmem_shared>>
        tpu.enqueue_indirect_dma source(%arg11 : memref<128x32xf32, #tpu.memory_space<vmem>>) target(%dma_start3A_74 : memref<10240x32xf32, #tpu.memory_space<vmem_shared>>) offsets(%dma_start3A_71 : memref<128xi32, #tpu.memory_space<vmem>>) semaphore(%run_scoped3A : memref<!tpu.dma_semaphore, #tpu.memory_space<semaphore_mem>>) {add = true}
        %dma_wait3A_75 = arith.constant 0 : i32
        %dma_wait3A_76 = tpu.memref_slice %arg8[%scan3A_50, %dma_wait3A_75] : memref<40x128xi32, #tpu.memory_space<vmem>> -> memref<1x128xi32, #tpu.memory_space<vmem>>
        %dma_wait3A_77 = tpu.memref_squeeze %dma_wait3A_76 : memref<1x128xi32, #tpu.memory_space<vmem>> -> memref<128xi32, #tpu.memory_space<vmem>>
        %dma_wait3A_78 = arith.constant 0 : i32
        %dma_wait3A_79 = arith.constant 0 : i32
        %dma_wait3A_80 = tpu.memref_slice %arg12[%dma_wait3A_78, %dma_wait3A_79] : memref<10240x32xf32, #tpu.memory_space<vmem_shared>> -> memref<10240x32xf32, #tpu.memory_space<vmem_shared>>
        tpu.wait_indirect_dma semaphore(%run_scoped3A : memref<!tpu.dma_semaphore, #tpu.memory_space<semaphore_mem>>) src(%arg11 : memref<128x32xf32, #tpu.memory_space<vmem>>) dst(%dma_wait3A_80 : memref<10240x32xf32, #tpu.memory_space<vmem_shared>>)
        tpu.yield
      }) : () -> ()
    }
    %scan3A_44 = arith.constant 40 : i32
    %barrier3A_45 = arith.constant 0 : index
    tpu.barrier barrier_id(%barrier3A_45)
    %mul3A_46 = arith.constant 640 : i32
    %mul3A_47 = arith.muli %arg1, %mul3A_46 : i32
    %mul3A_48 = arith.constant 640 : i32
    %mul3A_49 = arith.muli %arg1, %mul3A_48 : i32
    "tpu.region"() ({
      %run_scoped3A = tpu.sem_alloc : memref<!tpu.dma_semaphore, #tpu.memory_space<semaphore_mem>>
      %dma_start3A = arith.constant 0 : i32
      %dma_start3A_50 = tpu.memref_slice %arg6[%arg0, %mul3A_49, %dma_start3A] : memref<2x10240x32xf32, #tpu.memory_space<hbm>> -> memref<1x640x32xf32, #tpu.memory_space<hbm>>
      %dma_start3A_51 = tpu.memref_squeeze %dma_start3A_50 : memref<1x640x32xf32, #tpu.memory_space<hbm>> -> memref<640x32xf32, #tpu.memory_space<hbm>>
      %dma_start3A_52 = arith.constant 0 : i32
      %dma_start3A_53 = tpu.memref_slice %arg12[%mul3A_47, %dma_start3A_52] : memref<10240x32xf32, #tpu.memory_space<vmem_shared>> -> memref<640x32xf32, #tpu.memory_space<vmem_shared>>
      tpu.enqueue_dma source(%dma_start3A_53 : memref<640x32xf32, #tpu.memory_space<vmem_shared>>) target(%dma_start3A_51 : memref<640x32xf32, #tpu.memory_space<hbm>>) target_semaphore(%run_scoped3A : memref<!tpu.dma_semaphore, #tpu.memory_space<semaphore_mem>>)
      %dma_wait3A = arith.constant 0 : i32
      %dma_wait3A_54 = tpu.memref_slice %arg6[%arg0, %mul3A_49, %dma_wait3A] : memref<2x10240x32xf32, #tpu.memory_space<hbm>> -> memref<1x640x32xf32, #tpu.memory_space<hbm>>
      %dma_wait3A_55 = tpu.memref_squeeze %dma_wait3A_54 : memref<1x640x32xf32, #tpu.memory_space<hbm>> -> memref<640x32xf32, #tpu.memory_space<hbm>>
      %dma_wait3A_56 = arith.constant 0 : i32
      %dma_wait3A_57 = tpu.memref_slice %arg12[%mul3A_47, %dma_wait3A_56] : memref<10240x32xf32, #tpu.memory_space<vmem_shared>> -> memref<640x32xf32, #tpu.memory_space<vmem_shared>>
      tpu.wait_dma2 semaphore(%run_scoped3A : memref<!tpu.dma_semaphore, #tpu.memory_space<semaphore_mem>>) src(%dma_wait3A_57 : memref<640x32xf32, #tpu.memory_space<vmem_shared>>) dst(%dma_wait3A_55 : memref<640x32xf32, #tpu.memory_space<hbm>>)
      tpu.yield
    }) : () -> ()
    return
  }
}

module attributes {stable_mosaic.version = 14 : i64} {
  func.func @body(%arg0: memref<10000x128xf32, #tpu.memory_space<vmem>>, %arg1: memref<128x32xf32, #tpu.memory_space<vmem>>, %arg2: memref<128x16xf32, #tpu.memory_space<vmem>>, %arg3: memref<10000x32xf32, #tpu.memory_space<vmem>>, %arg4: memref<10000x16xf32, #tpu.memory_space<vmem>>) attributes {dimension_semantics = [], scalar_prefetch = 0 : i64, scratch_operands = 0 : i64, tpu.core_type = #tpu.core_type<tc>} {
    %get3A = arith.constant 0 : index
    %get3A_0 = arith.constant 0 : index
    %get3A_1 = vector.load %arg0[%get3A, %get3A_0] : memref<10000x128xf32, #tpu.memory_space<vmem>>, vector<10000x128xf32>
    %get3A_2 = arith.constant 0 : index
    %get3A_3 = arith.constant 0 : index
    %get3A_4 = vector.load %arg1[%get3A_2, %get3A_3] : memref<128x32xf32, #tpu.memory_space<vmem>>, vector<128x32xf32>
    %dot_general3A = arith.constant dense<0.000000e+00> : vector<10000x32xf32>
    %dot_general3A_5 = tpu.matmul %get3A_1, %get3A_4, %dot_general3A {dimension_numbers = #tpu.dot_dimension_numbers<[1], [0], [0], [1], [0, 0, 1, 1], [], []>, transpose_lhs_hint = false} : vector<10000x128xf32>, vector<128x32xf32>, vector<10000x32xf32> -> vector<10000x32xf32>
    %swap3A = arith.constant 0 : index
    %swap3A_6 = arith.constant 0 : index
    %swap3A_7 = vector.load %arg3[%swap3A, %swap3A_6] : memref<10000x32xf32, #tpu.memory_space<vmem>>, vector<10000x32xf32>
    tpu.vector_store %arg3[%swap3A, %swap3A_6], %dot_general3A_5 {strides = array<i32>} : memref<10000x32xf32, #tpu.memory_space<vmem>>, vector<10000x32xf32>,
    %get3A_8 = arith.constant 0 : index
    %get3A_9 = arith.constant 0 : index
    %get3A_10 = vector.load %arg2[%get3A_8, %get3A_9] : memref<128x16xf32, #tpu.memory_space<vmem>>, vector<128x16xf32>
    %dot_general3A_11 = arith.constant dense<0.000000e+00> : vector<10000x16xf32>
    %dot_general3A_12 = tpu.matmul %get3A_1, %get3A_10, %dot_general3A_11 {dimension_numbers = #tpu.dot_dimension_numbers<[1], [0], [0], [1], [0, 0, 1, 1], [], []>, transpose_lhs_hint = false} : vector<10000x128xf32>, vector<128x16xf32>, vector<10000x16xf32> -> vector<10000x16xf32>
    %swap3A_13 = arith.constant 0 : index
    %swap3A_14 = arith.constant 0 : index
    %swap3A_15 = vector.load %arg4[%swap3A_13, %swap3A_14] : memref<10000x16xf32, #tpu.memory_space<vmem>>, vector<10000x16xf32>
    tpu.vector_store %arg4[%swap3A_13, %swap3A_14], %dot_general3A_12 {strides = array<i32>} : memref<10000x16xf32, #tpu.memory_space<vmem>>, vector<10000x16xf32>,
    return
  }
}

module attributes {stable_mosaic.version = 14 : i64} {
  func.func @body(%arg0: memref<2x10240x32xf32, #tpu.memory_space<vmem>>, %arg1: memref<10000x16xf32, #tpu.memory_space<vmem>>, %arg2: memref<1x16xf32, #tpu.memory_space<vmem>>, %arg3: memref<16x32xf32, #tpu.memory_space<vmem>>, %arg4: memref<16x16xf32, #tpu.memory_space<vmem>>, %arg5: memref<10000x32xf32, #tpu.memory_space<vmem>>, %arg6: memref<10000x16xf32, #tpu.memory_space<vmem>>) attributes {dimension_semantics = [], scalar_prefetch = 0 : i64, scratch_operands = 0 : i64, tpu.core_type = #tpu.core_type<tc>} {
    %get3A = arith.constant 0 : index
    %get3A_0 = arith.constant 0 : index
    %get3A_1 = arith.constant 0 : index
    %get3A_2 = vector.load %arg0[%get3A, %get3A_0, %get3A_1] : memref<2x10240x32xf32, #tpu.memory_space<vmem>>, vector<1x10000x16xf32>
    %get3A_3 = vector.shape_cast %get3A_2 : vector<1x10000x16xf32> to vector<10000x16xf32>
    %get3A_4 = arith.constant 1 : index
    %get3A_5 = arith.constant 0 : index
    %get3A_6 = arith.constant 0 : index
    %get3A_7 = vector.load %arg0[%get3A_4, %get3A_5, %get3A_6] : memref<2x10240x32xf32, #tpu.memory_space<vmem>>, vector<1x10000x16xf32>
    %get3A_8 = vector.shape_cast %get3A_7 : vector<1x10000x16xf32> to vector<10000x16xf32>
    %add3A = arith.addf %get3A_3, %get3A_8 : vector<10000x16xf32>
    %get3A_9 = arith.constant 0 : index
    %get3A_10 = arith.constant 0 : index
    %get3A_11 = arith.constant 16 : index
    %get3A_12 = vector.load %arg0[%get3A_9, %get3A_10, %get3A_11] : memref<2x10240x32xf32, #tpu.memory_space<vmem>>, vector<1x10000x1xf32>
    %get3A_13 = vector.shape_cast %get3A_12 : vector<1x10000x1xf32> to vector<10000x1xf32>
    %get3A_14 = arith.constant 1 : index
    %get3A_15 = arith.constant 0 : index
    %get3A_16 = arith.constant 16 : index
    %get3A_17 = vector.load %arg0[%get3A_14, %get3A_15, %get3A_16] : memref<2x10240x32xf32, #tpu.memory_space<vmem>>, vector<1x10000x1xf32>
    %get3A_18 = vector.shape_cast %get3A_17 : vector<1x10000x1xf32> to vector<10000x1xf32>
    %add3A_19 = arith.addf %get3A_13, %get3A_18 : vector<10000x1xf32>
    %max3A = arith.constant 1.000000e+00 : f32
    %max3A_20 = vector.broadcast %max3A : f32 to vector<10000x1xf32>
    %max3A_21 = arith.maximumf %add3A_19, %max3A_20 : vector<10000x1xf32>
    %div3A = vector.broadcast %max3A_21 : vector<10000x1xf32> to vector<10000x16xf32>
    %div3A_22 = arith.divf %add3A, %div3A : vector<10000x16xf32>
    %get3A_23 = arith.constant 0 : index
    %get3A_24 = arith.constant 0 : index
    %get3A_25 = vector.load %arg1[%get3A_23, %get3A_24] : memref<10000x16xf32, #tpu.memory_space<vmem>>, vector<10000x16xf32>
    %add3A_26 = arith.addf %get3A_25, %div3A_22 : vector<10000x16xf32>
    %get3A_27 = arith.constant 0 : index
    %get3A_28 = arith.constant 0 : index
    %get3A_29 = vector.load %arg2[%get3A_27, %get3A_28] : memref<1x16xf32, #tpu.memory_space<vmem>>, vector<1x16xf32>
    %add3A_30 = vector.broadcast %get3A_29 : vector<1x16xf32> to vector<10000x16xf32>
    %add3A_31 = arith.addf %add3A_26, %add3A_30 : vector<10000x16xf32>
    %max3A_32 = arith.constant 0.000000e+00 : f32
    %max3A_33 = vector.broadcast %max3A_32 : f32 to vector<10000x16xf32>
    %max3A_34 = arith.maximumf %add3A_31, %max3A_33 : vector<10000x16xf32>
    %get3A_35 = arith.constant 0 : index
    %get3A_36 = arith.constant 0 : index
    %get3A_37 = vector.load %arg3[%get3A_35, %get3A_36] : memref<16x32xf32, #tpu.memory_space<vmem>>, vector<16x32xf32>
    %dot_general3A = arith.constant dense<0.000000e+00> : vector<10000x32xf32>
    %dot_general3A_38 = tpu.matmul %max3A_34, %get3A_37, %dot_general3A {dimension_numbers = #tpu.dot_dimension_numbers<[1], [0], [0], [1], [0, 0, 1, 1], [], []>, transpose_lhs_hint = false} : vector<10000x16xf32>, vector<16x32xf32>, vector<10000x32xf32> -> vector<10000x32xf32>
    %swap3A = arith.constant 0 : index
    %swap3A_39 = arith.constant 0 : index
    %swap3A_40 = vector.load %arg5[%swap3A, %swap3A_39] : memref<10000x32xf32, #tpu.memory_space<vmem>>, vector<10000x32xf32>
    tpu.vector_store %arg5[%swap3A, %swap3A_39], %dot_general3A_38 {strides = array<i32>} : memref<10000x32xf32, #tpu.memory_space<vmem>>, vector<10000x32xf32>,
    %get3A_41 = arith.constant 0 : index
    %get3A_42 = arith.constant 0 : index
    %get3A_43 = vector.load %arg4[%get3A_41, %get3A_42] : memref<16x16xf32, #tpu.memory_space<vmem>>, vector<16x16xf32>
    %dot_general3A_44 = arith.constant dense<0.000000e+00> : vector<10000x16xf32>
    %dot_general3A_45 = tpu.matmul %max3A_34, %get3A_43, %dot_general3A_44 {dimension_numbers = #tpu.dot_dimension_numbers<[1], [0], [0], [1], [0, 0, 1, 1], [], []>, transpose_lhs_hint = false} : vector<10000x16xf32>, vector<16x16xf32>, vector<10000x16xf32> -> vector<10000x16xf32>
    %swap3A_46 = arith.constant 0 : index
    %swap3A_47 = arith.constant 0 : index
    %swap3A_48 = vector.load %arg6[%swap3A_46, %swap3A_47] : memref<10000x16xf32, #tpu.memory_space<vmem>>, vector<10000x16xf32>
    tpu.vector_store %arg6[%swap3A_46, %swap3A_47], %dot_general3A_45 {strides = array<i32>} : memref<10000x16xf32, #tpu.memory_space<vmem>>, vector<10000x16xf32>,
    return
  }
}

module attributes {stable_mosaic.version = 14 : i64} {
  func.func @body(%arg0: memref<2x10240x32xf32, #tpu.memory_space<vmem>>, %arg1: memref<10000x16xf32, #tpu.memory_space<vmem>>, %arg2: memref<1x16xf32, #tpu.memory_space<vmem>>, %arg3: memref<10000x1xi32, #tpu.memory_space<vmem>>, %arg4: memref<64x10xf32, #tpu.memory_space<vmem>>) attributes {dimension_semantics = [], scalar_prefetch = 0 : i64, scratch_operands = 0 : i64, tpu.core_type = #tpu.core_type<tc>} {
    %get3A = arith.constant 0 : index
    %get3A_0 = arith.constant 0 : index
    %get3A_1 = arith.constant 0 : index
    %get3A_2 = vector.load %arg0[%get3A, %get3A_0, %get3A_1] : memref<2x10240x32xf32, #tpu.memory_space<vmem>>, vector<1x10000x16xf32>
    %get3A_3 = vector.shape_cast %get3A_2 : vector<1x10000x16xf32> to vector<10000x16xf32>
    %get3A_4 = arith.constant 1 : index
    %get3A_5 = arith.constant 0 : index
    %get3A_6 = arith.constant 0 : index
    %get3A_7 = vector.load %arg0[%get3A_4, %get3A_5, %get3A_6] : memref<2x10240x32xf32, #tpu.memory_space<vmem>>, vector<1x10000x16xf32>
    %get3A_8 = vector.shape_cast %get3A_7 : vector<1x10000x16xf32> to vector<10000x16xf32>
    %add3A = arith.addf %get3A_3, %get3A_8 : vector<10000x16xf32>
    %get3A_9 = arith.constant 0 : index
    %get3A_10 = arith.constant 0 : index
    %get3A_11 = arith.constant 16 : index
    %get3A_12 = vector.load %arg0[%get3A_9, %get3A_10, %get3A_11] : memref<2x10240x32xf32, #tpu.memory_space<vmem>>, vector<1x10000x1xf32>
    %get3A_13 = vector.shape_cast %get3A_12 : vector<1x10000x1xf32> to vector<10000x1xf32>
    %get3A_14 = arith.constant 1 : index
    %get3A_15 = arith.constant 0 : index
    %get3A_16 = arith.constant 16 : index
    %get3A_17 = vector.load %arg0[%get3A_14, %get3A_15, %get3A_16] : memref<2x10240x32xf32, #tpu.memory_space<vmem>>, vector<1x10000x1xf32>
    %get3A_18 = vector.shape_cast %get3A_17 : vector<1x10000x1xf32> to vector<10000x1xf32>
    %add3A_19 = arith.addf %get3A_13, %get3A_18 : vector<10000x1xf32>
    %get3A_20 = arith.constant 0 : index
    %get3A_21 = arith.constant 0 : index
    %get3A_22 = vector.load %arg1[%get3A_20, %get3A_21] : memref<10000x16xf32, #tpu.memory_space<vmem>>, vector<10000x16xf32>
    %max3A = arith.constant 1.000000e+00 : f32
    %max3A_23 = vector.broadcast %max3A : f32 to vector<10000x1xf32>
    %max3A_24 = arith.maximumf %add3A_19, %max3A_23 : vector<10000x1xf32>
    %div3A = vector.broadcast %max3A_24 : vector<10000x1xf32> to vector<10000x16xf32>
    %div3A_25 = arith.divf %add3A, %div3A : vector<10000x16xf32>
    %add3A_26 = arith.addf %get3A_22, %div3A_25 : vector<10000x16xf32>
    %get3A_27 = arith.constant 0 : index
    %get3A_28 = arith.constant 0 : index
    %get3A_29 = vector.load %arg2[%get3A_27, %get3A_28] : memref<1x16xf32, #tpu.memory_space<vmem>>, vector<1x16xf32>
    %add3A_30 = vector.broadcast %get3A_29 : vector<1x16xf32> to vector<10000x16xf32>
    %add3A_31 = arith.addf %add3A_26, %add3A_30 : vector<10000x16xf32>
    %iota3A = tpu.iota {dimensions = array<i32: 1>} : vector<1x64xi32>
    %get3A_32 = arith.constant 0 : index
    %get3A_33 = arith.constant 0 : index
    %get3A_34 = vector.load %arg3[%get3A_32, %get3A_33] : memref<10000x1xi32, #tpu.memory_space<vmem>>, vector<10000x1xi32>
    %eq3A = vector.broadcast %get3A_34 : vector<10000x1xi32> to vector<10000x64xi32>
    %eq3A_35 = vector.broadcast %iota3A : vector<1x64xi32> to vector<10000x64xi32>
    %eq3A_36 = arith.cmpi eq, %eq3A, %eq3A_35 : vector<10000x64xi32>
    %convert_element_type3A = arith.extui %eq3A_36 : vector<10000x64xi1> to vector<10000x64xi32>
    %convert_element_type3A_37 = arith.sitofp %convert_element_type3A : vector<10000x64xi32> to vector<10000x64xf32>
    %dot_general3A = arith.constant dense<0.000000e+00> : vector<64x16xf32>
    %dot_general3A_38 = tpu.matmul %convert_element_type3A_37, %add3A_31, %dot_general3A {dimension_numbers = #tpu.dot_dimension_numbers<[0], [0], [1], [1], [0, 1, 1, 1], [], []>, transpose_lhs_hint = false} : vector<10000x64xf32>, vector<10000x16xf32>, vector<64x16xf32> -> vector<64x16xf32>
    %broadcast_in_dim3A = arith.constant 1.000000e+00 : f32
    %broadcast_in_dim3A_39 = vector.broadcast %broadcast_in_dim3A : f32 to vector<10000x1xf32>
    %dot_general3A_40 = arith.constant dense<0.000000e+00> : vector<64x1xf32>
    %dot_general3A_41 = tpu.matmul %convert_element_type3A_37, %broadcast_in_dim3A_39, %dot_general3A_40 {dimension_numbers = #tpu.dot_dimension_numbers<[0], [0], [1], [1], [0, 1, 1, 1], [], []>, transpose_lhs_hint = false} : vector<10000x64xf32>, vector<10000x1xf32>, vector<64x1xf32> -> vector<64x1xf32>
    %max3A_42 = arith.constant 1.000000e+00 : f32
    %max3A_43 = vector.broadcast %max3A_42 : f32 to vector<64x1xf32>
    %max3A_44 = arith.maximumf %dot_general3A_41, %max3A_43 : vector<64x1xf32>
    %div3A_45 = vector.broadcast %max3A_44 : vector<64x1xf32> to vector<64x16xf32>
    %div3A_46 = arith.divf %dot_general3A_38, %div3A_45 : vector<64x16xf32>
    %slice3A = vector.extract_strided_slice %div3A_46 {offsets = [0, 0], sizes = [64, 10], strides = [1, 1]} : vector<64x16xf32> to vector<64x10xf32>
    %reduce_max3A = arith.constant dense<0xFF800000> : vector<64xf32>
    %reduce_max3A_47 = vector.multi_reduction <maximumf>, %slice3A, %reduce_max3A [1] : vector<64x10xf32> to vector<64xf32>
    %broadcast_in_dim3A_48 = vector.shape_cast %reduce_max3A_47 : vector<64xf32> to vector<64x1xf32>
    %sub3A = vector.broadcast %broadcast_in_dim3A_48 : vector<64x1xf32> to vector<64x10xf32>
    %sub3A_49 = arith.subf %slice3A, %sub3A : vector<64x10xf32>
    %exp3A = math.exp %sub3A_49 : vector<64x10xf32>
    %reduce_sum3A = arith.constant dense<0.000000e+00> : vector<64xf32>
    %reduce_sum3A_50 = vector.multi_reduction <add>, %exp3A, %reduce_sum3A [1] : vector<64x10xf32> to vector<64xf32>
    %broadcast_in_dim3A_51 = vector.shape_cast %reduce_sum3A_50 : vector<64xf32> to vector<64x1xf32>
    %log3A = math.log %broadcast_in_dim3A_51 : vector<64x1xf32>
    %sub3A_52 = vector.broadcast %log3A : vector<64x1xf32> to vector<64x10xf32>
    %sub3A_53 = arith.subf %sub3A_49, %sub3A_52 : vector<64x10xf32>
    %swap3A = arith.constant 0 : index
    %swap3A_54 = arith.constant 0 : index
    %swap3A_55 = vector.load %arg4[%swap3A, %swap3A_54] : memref<64x10xf32, #tpu.memory_space<vmem>>, vector<64x10xf32>
    tpu.vector_store %arg4[%swap3A, %swap3A_54], %sub3A_53 {strides = array<i32>} : memref<64x10xf32, #tpu.memory_space<vmem>>, vector<64x10xf32>,
    return
  }
}

</mosaic_0001>

<sc_bundles>
// kernel: kernel.10.cloned.1.call-start
scs
__scs_entry_jumppad:
0x0: {  	(pc) =	sbr.rel $0x88, $3  }
0x1: {  	(tag) =	ssettag $0x0;
	lr =	simm.s32 $0x1  }
0x2: {  	[smem:$0x3F95] =	sst lr;
	_ =	strace $0xD0000000  }
0x3: {  	_ = 	snop  }
0x4: {  	_ = 	snop  }
0x5: {  	_ = 	snop  }
0x6: {  	_ = 	snop  }
0x7: {  	_ = 	snop  }
__scs_overlays_trampoline_lowered:
0x8: {  	[smem:$0x3FA4] =	sst s0  }
0x9: {  	[smem:$0x3FA5] =	sst s1  }
0xa: {  	[smem:$0x3FA6] =	sst s2  }
0xb: {  	[smem:$0x3FA7] =	sst s3  }
0xc: {  	[smem:$0x3FA8] =	sst s4  }
0xd: {  	[smem:$0x3FA9] =	sst s5  }
0xe: {  	[smem:$0x3FAA] =	sst s6  }
0xf: {  	[smem:$0x3FAB] =	sst s7  }
0x10: {  	[smem:$0x3FAC] =	sst s8  }
0x11: {  	[smem:$0x3FAD] =	sst s9;
	s0 =	simm.s32 @!p0 $0x0  }
0x12: {  	s1 =	sld [smem:$0x3F93];
	s0 =	simm.s32 @p0 $0x1  }
0x13: {  	[smem:$0x3FAE] =	sst s0;
	s0 =	simm.s32 @!p1 $0x0  }
0x14: {  	s2 =	sld [smem:$0x3F92];
	s0 =	simm.s32 @p1 $0x1  }
0x15: {  	[smem:$0x3FAF] =	sst s0;
	s0 =	simm.s32 @!p2 $0x0  }
0x16: {  	s3 =	sld [smem:$0x3FDB];
	s0 =	simm.s32 @p2 $0x1  }
0x17: {  	s4 =	simm.s32 $0x1BF5;
	[smem:$0x3FB1] =	sst s0  }
0x18: {  	s0 =	sld [smem:$0x3F94];
	_ =	swait.ge [sflag:s4], $0x0  }
0x19: {  	s7 =	sld [smem:$0x3F95]  }
0x1a: {  	s8 =	sadd.s32 $0xFFFFE003, lr  }
0x1b: {  	s9 =	sadd.s32 $0xFFFFFEF7, lr;
	s5 =	simm.s32 $0xFFFFFFFF;
	p2 =	slt.u32 s8, $0xFFFFF086  }
0x1c: {  	p1 =	slt.u32 s9, $0xF7A;
	s5 =	simm.s32 @!p2 $0x0  }
0x1d: {  	s5 =	simm.s32 @p1 $0x1;
	p0 =	seq.s32 s7, s2  }
0x1e: {  	s7 =	smul.u32 @!p0 $0xF7A, s2;
	p2 =	seq.s32 @!p0 s5, $0x0  }
0x1f: {  	s9 =	smul.u32 $0xF7A, s1;
	s8 =	simm.s32 @!p0 $0x1BF5;
	p2 =	por !p2, p0  }
0x20: {  	[sflag:s8] =	ssyncset.s32 @!p0 $0xFFFFF086;
	s6 =	sadd.s32 @!p0 s3, s7;
	s7 =	simm.s32 @!p0 $0x108  }
0x21: {  	s3 =	sadd.s32 s3, s9;
	s6 =	sadd.s32 @!p0 $0x88, s6;
	s7 =	simm.s32 @p2 $0x1082  }
0x22: {  	[simem:s7], [sflag:s8] =	dma.local @!p0 [hbm:s6], $0xF7A  }
0x23: {  	s9 =	sor.u32 $0xD0000000, s2;
	s6 =	simm.s32 $0x108;
	_ =	swait.ge @!p0 [sflag:s8], $0x0  }
0x24: {  	s3 =	sadd.s32 $0x88, s3;
	s6 =	simm.s32 @!p1 $0x1082;
	[sflag:s4] =	ssyncset.s32 $0xFFFFF086  }
0x25: {  	[simem:s6], [sflag:s4] =	dma.local [hbm:s3], $0xF7A  }
0x26: {  	[smem:$0x3F95] =	sst s1;
	(tag) =	ssettag s2;
	_ =	strace s9  }
0x27: {  	s1 =	sld [smem:$0x3FA5]  }
0x28: {  	s2 =	sld [smem:$0x3FA6]  }
0x29: {  	s4 =	sld [smem:$0x3FA8]  }
0x2a: {  	p0 =	seq.s32 s5, $0x0;
	s5 =	sld [smem:$0x3FA9]  }
0x2b: {  	s6 =	sld [smem:$0x3FAA]  }
0x2c: {  	s7 =	sld [smem:$0x3FAB]  }
0x2d: {  	s3 =	simm.s32 $0x108;
	s8 =	sld [smem:$0x3FAC]  }
0x2e: {  	s3 =	simm.s32 @!p0 $0x1082;
	s9 =	sld [smem:$0x3FAD]  }
0x2f: {  	lr =	sadd.s32 s0, s3;
	s0 =	sld [smem:$0x3FA4]  }
0x30: {  	s3 =	sld [smem:$0x3FA7]  }
0x31: {  	[smem:$0x3FB0] =	sst s10  }
0x32: {  	s10 =	sld [smem:$0x3FAE];
	_ =	sdelay $0x3  }
0x33: {  	p0 =	seq.s32 s10, $0x1;
	s10 =	sld [smem:$0x3FB0];
	_ =	sdelay $0x3  }
0x34: {  	[smem:$0x3FB0] =	sst s10  }
0x35: {  	s10 =	sld [smem:$0x3FAF];
	_ =	sdelay $0x3  }
0x36: {  	p1 =	seq.s32 s10, $0x1;
	s10 =	sld [smem:$0x3FB0];
	_ =	sdelay $0x3  }
0x37: {  	[smem:$0x3FB0] =	sst s10  }
0x38: {  	s10 =	sld [smem:$0x3FB1]  }
0x39: {  	_ = 	snop;
	(pc) =	sbr.ind lr, $3  }
0x3a: {  	_ = 	snop  }
0x3b: {  	_ = 	snop  }
0x3c: {  	p2 =	seq.s32 s10, $0x1;
	s10 =	sld [smem:$0x3FB0]  }
0x3d: {  	_ =	shalt  }
0x3e: {  	_ =	shalt  }
0x3f: {  	_ =	shalt  }
0x40: {  	_ =	shalt  }
0x41: {  	_ =	shalt  }
0x42: {  	_ =	shalt  }
0x43: {  	_ =	shalt  }
0x44: {  	_ =	shalt  }
0x45: {  	_ =	shalt  }
0x46: {  	_ =	shalt  }
0x47: {  	_ =	shalt  }
0x48: {  	_ =	shalt  }
0x49: {  	_ =	shalt  }
0x4a: {  	_ =	shalt  }
0x4b: {  	_ =	shalt  }
0x4c: {  	_ =	shalt  }
0x4d: {  	_ =	shalt  }
0x4e: {  	_ =	shalt  }
0x4f: {  	_ =	shalt  }
0x50: {  	_ =	shalt  }
0x51: {  	_ =	shalt  }
0x52: {  	_ =	shalt  }
0x53: {  	_ =	shalt  }
0x54: {  	_ =	shalt  }
0x55: {  	_ =	shalt  }
0x56: {  	_ =	shalt  }
0x57: {  	_ =	shalt  }
0x58: {  	_ =	shalt  }
0x59: {  	_ =	shalt  }
0x5a: {  	_ =	shalt  }
0x5b: {  	_ =	shalt  }
0x5c: {  	_ =	shalt  }
0x5d: {  	_ =	shalt  }
0x5e: {  	_ =	shalt  }
0x5f: {  	_ =	shalt  }
0x60: {  	_ =	shalt  }
0x61: {  	_ =	shalt  }
0x62: {  	_ =	shalt  }
0x63: {  	_ =	shalt  }
0x64: {  	_ =	shalt  }
0x65: {  	_ =	shalt  }
0x66: {  	_ =	shalt  }
0x67: {  	_ =	shalt  }
0x68: {  	_ =	shalt  }
0x69: {  	_ =	shalt  }
0x6a: {  	_ =	shalt  }
0x6b: {  	_ =	shalt  }
0x6c: {  	_ =	shalt  }
0x6d: {  	_ =	shalt  }
0x6e: {  	_ =	shalt  }
0x6f: {  	_ =	shalt  }
0x70: {  	_ =	shalt  }
0x71: {  	_ =	shalt  }
0x72: {  	_ =	shalt  }
0x73: {  	_ =	shalt  }
0x74: {  	_ =	shalt  }
0x75: {  	_ =	shalt  }
0x76: {  	_ =	shalt  }
0x77: {  	_ =	shalt  }
0x78: {  	_ =	shalt  }
0x79: {  	_ =	shalt  }
0x7a: {  	_ =	shalt  }
0x7b: {  	_ =	shalt  }
0x7c: {  	_ =	shalt  }
0x7d: {  	_ =	shalt  }
0x7e: {  	_ =	shalt  }
0x7f: {  	_ =	shalt  }
0x80: {  	_ =	shalt  }
0x81: {  	_ =	shalt  }
0x82: {  	_ =	shalt  }
0x83: {  	_ =	shalt  }
0x84: {  	_ =	shalt  }
0x85: {  	_ =	shalt  }
0x86: {  	_ =	shalt  }
0x87: {  	_ =	shalt  }
.Lfunc_end0:
.L_simem_size_0:
called_computation.1_lowered:
.L_overlay_start_0:
0x88: {  	s2 =	sld [smem:$0x3FD9]  }
0x89: {  	s3 =	sld [smem:$0x3FFE];
	_ =	sdelay $0x1  }
0x8a: {  	s1 =	srdreg.scid  }
0x8b: {  	s0 =	sand.u32 $0x1, s1  }
0x8c: {  	s16 =	sshll.u32 s0, $0xA;
	s2 =	sadd.s32 s3, s2  }
0x8d: {  	s2 =	sadd.s32 s2, s16  }
0x8e: {  	[smem:$0x3FBC] =	sst s2  }
0x8f: {  	_ = 	snop  }
0x90: {  	(tm) =	ssettm $0x1  }
0x91: {  	s17 =	sld [smem:$0x3FFB];
	_ =	sdelay $0x3  }
0x92: {  	_ =	strace s17  }
0x93: {  	s2 =	sld [smem:$0x3FFC];
	_ =	sdelay $0x3  }
0x94: {  	_ =	strace s2  }
0x95: {  	s2 =	sld [smem:$0x3FFD];
	_ =	sdelay $0x3  }
0x96: {  	_ =	strace s2  }
0x97: {  	_ =	strace $0x8FFFFFFF  }
0x98: {  	s18 =	sld [smem:$0x3FDB];
	_ =	sdelay $0x1  }
0x99: {  	s19 =	simm.s32 $_scs_section_size  }
0x9a: {  	s4 =	simm.s32 $_size__tile_overlayer_lowered;
	s5 =	simm.s32 $_tile_overlayer_lowered  }
0x9b: {  	s22 =	simm.s32 $0x1BFF;
	s21 =	sshll.u32 s5, $0x1;
	s2 =	sadd.s32 s19, s18  }
0x9c: {  	s6 =	simm.s32 $0x0;
	s20 =	sshll.u32 s4, $0x1;
	s4 =	sadd.s32 s21, s2  }
0x9d: {  	[timem:s6], [sflag:s22] =	dma.local [hbm:s4], s20  }
0x9e: {  	_ =	swait.ge [sflag:s22], s20  }
0x9f: {  	s3 =	ssub.s32 $0x0, s20;
	[sflag:s22] =	ssyncset.done $0x0  }
0xa0: {  	[sflag:s22] =	ssyncadd.s32 s3;
	_ =	sdelay $0x1  }
0xa1: {  	s23 =	simm.s32 $0x1B8B  }
0xa2: {  	_ =	swait.ge [sflag:s23], $0x1  }
0xa3: {  	[sflag:s23] =	ssyncset.done $0x0  }
0xa4: {  	s25 =	simm.s32 $0x1B8E;
	s24 =	sld [smem:$0x3FFE];
	[sflag:s23] =	ssyncadd.s32 $0xFFFFFFFF  }
0xa5: {  	s26 =	simm.s32 $execute0_lowered;
	[smem:$0x3FD2] =	sst s25  }
0xa6: {  	s4 =	sshll.u32 s26, $0x1;
	_ =	strace $0x80000049;
	[dreg:$0x1] =	wrdreg $0xFFFFFFFF  }
0xa7: {  	s28 =	simm.s32 $_size_execute0_lowered;
	s2 =	sadd.s32 s2, s4;
	[dreg:$0x0] =	wrdreg $0x0  }
0xa8: {  	s4 =	sshll.u32 s28, $0x1;
	[dreg:$0x2] =	wrdreg s2  }
0xa9: {  	[dreg:$0x3] =	wrdreg s4  }
0xaa: {  	[dreg:$0x4] =	wrdreg $0xC0  }
0xab: {  	_ =	task [dreg:s6], $0x5FFFF  }
0xac: {  	[dreg:$0x1] =	wrdreg $0xFFFFFFFF  }
0xad: {  	[dreg:$0x0] =	wrdreg $0x60  }
0xae: {  	[dreg:$0x2] =	wrdreg s24  }
0xaf: {  	[dreg:$0x3] =	wrdreg $0x5C000  }
0xb0: {  	[dreg:$0x4] =	wrdreg $0x9  }
0xb1: {  	_ =	task.clear_ibuf [dreg:s6], $0x5FFFF;
	_ =	strace $0x90000049  }
0xb2: {  	s29 =	simm.s32 $0x9;
	_ =	strace $0x8000004B  }
0xb3: {  	_ =	swait.ge [sflag:s29], $0x1  }
0xb4: {  	[sflag:s29] =	ssyncadd.s32 $0xFFFFFFFF  }
0xb5: {  	_ =	strace $0x9000004B  }
0xb6: {  	_ =	sfence  }
0xb7: {  	s30 =	sld [smem:$0x0];
	_ =	sdelay $0x2  }
0xb8: {  	s31 =	sshll.u32 s1, $0xD;
	s1 =	sshrl.u32 s1, $0x2  }
0xb9: {  	s3 =	sand.u32 $0x4000, s31;
	s1 =	sadd.s32 s1, s30  }
0xba: {  	s0 =	sor.u32 s3, s0;
	s1 =	sshll.u32 s1, $0x11  }
0xbb: {  	s0 =	sor.u32 s1, s0  }
0xbc: {  	s0 =	sadd.s32 $0x8F2B, s0  }
0xbd: {  	[sflag:s0] =	ssyncadd.remote.s32 $0x1  }
0xbe: {  	_ =	sfence.sel $0xFFFF  }
0xbf: {  	[dreg:$0x0] =	wrdreg $0xFFFFFFFF;
	(pc) =	sbr.abs _section_cstart, $3  }
0xc0: {  	[dreg:$0x1] =	wrdreg $0xFFFFFFFF  }
0xc1: {  	_ =	task.clear_ibuf [dreg:s6], $0x2FFFF;
	_ =	strace $0x9FFFFFFF  }
0xc2: {  	(tm) =	ssettm $0x7FFFFFFF  }
0xc3: {  	_ =	shalt  }
tec
execute0_lowered:
.L_overlay_start_1:
0x0: {  	(tag) =	ssettag $0x1  }
0x1: {  	s1 =	srdreg.scid  }
0x2: {  	s0 =	stileid.u32;
	s6 =	rddreg [dreg:$0x0]  }
0x3: {  	s2 =	rddreg [dreg:$0x1];
	s3 =	simm.s32 $0x0;
	s15 =	simm.s32 $0x4C00  }
0x4: {  	s16 =	simm.s32 $0x2;
	s17 =	simm.s32 $0x1400;
	s18 =	simm.s32 $0x2800  }
0x5: {  	s19 =	simm.s32 $0x80;
	s20 =	simm.s32 $0x3C00;
	s21 =	simm.s32 $0x1  }
0x6: {  	s5 =	sand.u32 $0x1, s1;
	s28 =	sshll.u32 s0, $0x1;
	s8 =	smul.u32 $0x5000, s0  }
0x7: {  	[smem:$0x7FF] =	sst s3;
	s10 =	smul.u32 $0x14000, s0;
	s4 =	sadd.s32 $0x400, s6  }
0x8: {  	s1 =	sor.u32 s5, s28;
	s9 =	smul.u32 $0x50000, s5;
	s5 =	ssub.s32 $0x2, s5  }
0x9: {  	s7 =	smul.u32 $0x280, s1;
	s1 =	rddreg [dreg:$0x2];
	_ =	strace $0x8000004A  }
0xa: {  	s30 =	sshrl.u32 s10, $0x2;
	s31 =	sshrl.u32 s5, $0x1;
	s29 =	sadd.s32 s8, s9  }
0xb: {  	s9 =	sadd.s32 s30, s2;
	s14 =	ssub.s32 s5, s31;
	s5 =	sadd.s32 s8, s2  }
0xc: {  	s12 =	sadd.s32 s7, s6;
	s7 =	sshrl.u32 s29, $0x3;
	s8 =	sadd.s32 $0x3000, s9  }
0xd: {  	s14 =	smax.u32 s14, $0x1;
	s13 =	sadd.s32 s7, s6;
	s6 =	sadd.s32 $0x1000, s9  }
0xe: {  	s7 =	sadd.s32 $0x2000, s9;
	s9 =	sadd.s32 $0x4000, s9;
	s10 =	sadd.s32 $0xF200, s12  }
0xf: {  	v0 =	vimm.f32 $0.0e+00;
	v1 =	vimm.f32 $1.000000000e+00;
	s11 =	sadd.s32 $0xA200, s12;
	s12 =	sadd.s32 $0x14200, s12;
	s13 =	sadd.s32 $0x19200, s13  }
.LBB2_1:
0x10: {  	s22 =	simm.s32 $0x80;
	s23 =	simm.s32 $0x0  }
.LBB2_2:
0x11: {  	p0 =	sne.s32 s22, $0x3F80;
	[tilespmem:s23+$0x4C00] =	vst v0;
	s24 =	smov.u32 s22;
	s22 =	sadd.s32 $0x80, s22  }
.Ltmp0:
0x12: {  	[tilespmem:s23+$0x4C10] =	vst v0;
	(pc) =	sbr.rel @p0 .LBB2_2-.Ltmp0, $2  }
0x13: {  	_ =	sdelay $0x2  }
0x14: {  	s23 =	sshra.s32 s24, $0x2  }
0x15: {  	[tilespmem:s23+$0x4C00] =	vst v0  }
0x16: {  	[tilespmem:s23+$0x4C10] =	vst v0  }
0x17: {  	[spmem:s5] =	stream.linear.scatter [tilespmem:s15], [sflag:$0x2], $0x1000, $0x38;
	[tilespmem:$0xAC00] =	vst v63  }
0x18: {  	_ =	swait.ge [sflag:s16], $0x1000  }
0x19: {  	[sflag:s16] =	ssyncset.done $0x0  }
0x1a: {  	[sflag:s16] =	ssyncadd.s32 $0xFFFFF000  }
0x1b: {  	[spmem:s6] =	stream.linear.scatter [tilespmem:s15], [sflag:$0x2], $0x1000, $0x38;
	[tilespmem:$0xAC00] =	vst v63  }
0x1c: {  	_ =	swait.ge [sflag:s16], $0x1000  }
0x1d: {  	[sflag:s16] =	ssyncset.done $0x0  }
0x1e: {  	[sflag:s16] =	ssyncadd.s32 $0xFFFFF000  }
0x1f: {  	[spmem:s7] =	stream.linear.scatter [tilespmem:s15], [sflag:$0x2], $0x1000, $0x38;
	[tilespmem:$0xAC00] =	vst v63  }
0x20: {  	_ =	swait.ge [sflag:s16], $0x1000  }
0x21: {  	[sflag:s16] =	ssyncset.done $0x0  }
0x22: {  	[sflag:s16] =	ssyncadd.s32 $0xFFFFF000  }
0x23: {  	[spmem:s8] =	stream.linear.scatter [tilespmem:s15], [sflag:$0x2], $0x1000, $0x38;
	[tilespmem:$0xAC00] =	vst v63  }
0x24: {  	_ =	swait.ge [sflag:s16], $0x1000  }
0x25: {  	[sflag:s16] =	ssyncset.done $0x0  }
0x26: {  	[sflag:s16] =	ssyncadd.s32 $0xFFFFF000  }
0x27: {  	[spmem:s9] =	stream.linear.scatter [tilespmem:s15], [sflag:$0x2], $0x1000, $0x38;
	[tilespmem:$0xAC00] =	vst v63  }
0x28: {  	_ =	swait.ge [sflag:s16], $0x1000  }
0x29: {  	[sflag:s16] =	ssyncset.done $0x0  }
0x2a: {  	s22 =	simm.s32 $0x80;
	s23 =	simm.s32 $0x0;
	[sflag:s16] =	ssyncadd.s32 $0xFFFFF000  }
.LBB2_4:
0x2b: {  	p0 =	sne.s32 s22, $0x3F80;
	[tilespmem:s23+$0x4C10] =	vst v1;
	s23 =	smov.u32 s22;
	s22 =	sadd.s32 $0x80, s22  }
.Ltmp1:
0x2c: {  	(pc) =	sbr.rel @p0 .LBB2_4-.Ltmp1, $2  }
0x2d: {  	_ =	sdelay $0x2  }
0x2e: {  	s23 =	sshra.s32 s23, $0x2  }
0x2f: {  	[tilespmem:s23+$0x4C10] =	vst v1;
	s22 =	simm.s32 $0x0  }
0x30: {  	[tilespmem:s22], [sflag:$0x2] =	stream.linear.gather [hbm4b:s10+s22], $0x1400, $0x38;
	[tilespmem:$0xAC00] =	vst v63  }
0x31: {  	_ =	swait.ge [sflag:s16], $0x1400  }
0x32: {  	[sflag:s16] =	ssyncset.done $0x0  }
0x33: {  	[sflag:s16] =	ssyncadd.s32 $0xFFFFEC00  }
0x34: {  	[tilespmem:s17], [sflag:$0x2] =	stream.linear.gather [hbm4b:s11+s22], $0x1400, $0x38;
	[tilespmem:$0xAC00] =	vst v63  }
0x35: {  	_ =	swait.ge [sflag:s16], $0x1400  }
0x36: {  	[sflag:s16] =	ssyncset.done $0x0  }
0x37: {  	[sflag:s16] =	ssyncadd.s32 $0xFFFFEC00  }
0x38: {  	[tilespmem:s18], [sflag:$0x2] =	stream.linear.gather [hbm4b:s12+s22], $0x1400, $0x38;
	[tilespmem:$0xAC00] =	vst v63  }
0x39: {  	_ =	swait.ge [sflag:s16], $0x1400  }
0x3a: {  	[sflag:s16] =	ssyncset.done $0x0  }
0x3b: {  	[sflag:s16] =	ssyncadd.s32 $0xFFFFEC00  }
0x3c: {  	s23 =	simm.s32 $0x0;
	[bflag:$0x0] =	sbarrier.arrive $0xFFFF  }
.LBB2_6:
0x3d: {  	s24 =	sshll.u32 s23, $0x7;
	v2 =	vmov s22  }
0x3e: {  	[tilespmem:s20], [sflag:$0x1] =	stream.indirect.gather [hbm4b:s4+s19], $0x20, s24, s19, $0xb8;
	[tilespmem:$0xAC00] =	vst v63  }
0x3f: {  	_ =	swait.ge [sflag:s21], $0x1000  }
0x40: {  	[sflag:s21] =	ssyncset.done $0x0  }
0x41: {  	[sflag:s21] =	ssyncadd.s32 $0xFFFFF000  }
0x42: {  	s26 =	simm.s32 $0x0;
	v4 =	vld.idx.msk [tilespmem:v2+s18+$0x0], $0xffff  }
0x43: {  	v5 =	vld [tilespmem:s26+$0x3C00];
	_ =	sdelay $0x1  }
0x44: {  	v3 =	vld [tilespmem:s26+$0x3C10];
	_ =	sdelay $0x1  }
0x45: {  	s28 =	sadd.s32 $0x1, s22  }
0x46: {  	s25 =	simm.s32 $0x80;
	s29 =	simm.s32 $0x100;
	v2 =	vmov s28;
	v4 =	vmul.f32 v5, v4  }
.LBB2_7:
0x47: {  	p0 =	sne.s32 s29, $0x3F80  }
0x48: {  	v3 =	vadd.f32 v3, v4;
	_ =	sdelay $0x1  }
0x49: {  	[tilespmem:s26+$0x4C00] =	vst v3  }
0x4a: {  	s26 =	sshra.s32 s25, $0x2;
	s25 =	smov.u32 s29;
	v4 =	vld.idx.msk [tilespmem:v2+s18+$0x0], $0xffff  }
0x4b: {  	v5 =	vld [tilespmem:s26+$0x3C00]  }
.Ltmp2:
0x4c: {  	(pc) =	sbr.rel @p0 .LBB2_7-.Ltmp2, $3  }
0x4d: {  	v3 =	vld [tilespmem:s26+$0x3C10];
	_ =	sdelay $0x1  }
0x4e: {  	s28 =	sadd.s32 $0x1, s28  }
0x4f: {  	s29 =	sadd.s32 $0x80, s29;
	v2 =	vmov s28;
	v4 =	vmul.f32 v5, v4  }
0x50: {  	_ = 	snop  }
0x51: {  	v3 =	vadd.f32 v3, v4;
	_ =	sdelay $0x1  }
0x52: {  	[tilespmem:s26+$0x4C00] =	vst v3  }
0x53: {  	s25 =	sshra.s32 s25, $0x2;
	v2 =	vld.idx.msk [tilespmem:v2+s18+$0x0], $0xffff  }
0x54: {  	v3 =	vld [tilespmem:s25+$0x3C00];
	_ =	sdelay $0x1  }
0x55: {  	v63 =	vld [tilespmem:s25+$0x3C10];
	_ =	sdelay $0x2  }
0x56: {  	v2 =	vmul.f32 v3, v2;
	_ =	sdelay $0x1  }
0x57: {  	s23 =	sadd.s32 $0x1, s23;
	v2 =	vadd.f32 v63, v2  }
0x58: {  	p0 =	sne.s32 s23, $0x28  }
.Ltmp3:
0x59: {  	s24 =	sadd.s32 $0x1400, s24;
	[tilespmem:s25+$0x4C00] =	vst v2;
	(pc) =	sbr.rel @p0 .LBB2_6-.Ltmp3, $4  }
0x5a: {  	[spmem:s2] =	stream.indirect.scatter.add.f32 [tilespmem:s15], [sflag:$0x2], $0x20, s24, s19, $0xb8;
	[tilespmem:$0xAC00] =	vst v63  }
0x5b: {  	_ =	swait.ge [sflag:s16], $0x1000  }
0x5c: {  	[sflag:s16] =	ssyncset.done $0x0  }
0x5d: {  	s22 =	sadd.s32 $0x80, s22;
	[sflag:s16] =	ssyncadd.s32 $0xFFFFF000  }
0x5e: {  	s3 =	sadd.s32 $0x1, s3  }
0x5f: {  	s22 =	sshll.u32 s0, $0x6;
	[bflag:$0x0] =	sbarrier.arrive $0xFFFF;
	p0 =	sne.s32 s3, s14  }
.Ltmp4:
0x60: {  	s23 =	sshrl.u32 s5, $0x3;
	s22 =	sor.u32 $0x1C02, s22;
	(pc) =	sbr.rel @p0 .LBB2_1-.Ltmp4, $4  }
0x61: {  	[hbm:s13], [sflag:s22] =	dma.local [spmem:s23], $0xA00  }
0x62: {  	_ =	swait.ge [sflag:s16], $0xA00  }
0x63: {  	[sflag:s16] =	ssyncset.done $0x0  }
0x64: {  	[sflag:s16] =	ssyncadd.s32 $0xFFFFF600  }
0x65: {  	_ =	sfence.sel $0x180000  }
0x66: {  	[bflag:$0x0] =	sbarrier.arrive $0xFFFF  }
0x67: {  	p0 =	sne.s32 s0, $0x0;
	_ =	strace $0x9000004A  }
0x68: {  	s0 =	sadd.s32 @!p0 $0x100000, s1;
	[bflag:$0x2] =	sbarrier.arrive $0xFFFF  }
0x69: {  	[sflag:s0] =	ssyncadd.tile.s32 @!p0 $0x1;
	_ =	shalt  }
.Lfunc_end2:
_tile_overlayer_lowered:
.L_overlay_start_2:
0x6a: {  	(tag) =	ssettag $0x2  }
0x6b: {  	s0 =	rddreg [dreg:$0x0];
	s2 =	stileid.u32  }
0x6c: {  	s1 =	rddreg [dreg:$0x1];
	p0 =	sne.s32 s2, $0x0  }
0x6d: {  	s3 =	rddreg [dreg:$0x2];
	[bflag:$0x3] =	sbarrier.arrive $0xFFFF;
	s2 =	simm.s32 @!p0 $0x1C02  }
0x6e: {  	[timem:s3], [sflag:s2] =	dma.local @!p0 [hbm:s0], s1  }
0x6f: {  	s0 =	simm.s32 @!p0 $0x2  }
0x70: {  	_ =	swait.ge @!p0 [sflag:s0], s1  }
0x71: {  	s1 =	ssub.s32 @!p0 $0x0, s1;
	[sflag:s0] =	ssyncset.done @!p0 $0x0  }
0x72: {  	[sflag:s0] =	ssyncadd.s32 @!p0 s1  }
0x73: {  	[bflag:$0x3] =	sbarrier.arrive $0xFFFF  }
0x74: {  	_ =	shalt  }

// kernel: kernel.7.cloned.1.call-start
scs
__scs_entry_jumppad:
0x0: {  	(pc) =	sbr.rel $0x88, $3  }
0x1: {  	(tag) =	ssettag $0x0;
	lr =	simm.s32 $0x1  }
0x2: {  	[smem:$0x3F95] =	sst lr;
	_ =	strace $0xD0000000  }
0x3: {  	_ = 	snop  }
0x4: {  	_ = 	snop  }
0x5: {  	_ = 	snop  }
0x6: {  	_ = 	snop  }
0x7: {  	_ = 	snop  }
__scs_overlays_trampoline_lowered:
0x8: {  	[smem:$0x3FA4] =	sst s0  }
0x9: {  	[smem:$0x3FA5] =	sst s1  }
0xa: {  	[smem:$0x3FA6] =	sst s2  }
0xb: {  	[smem:$0x3FA7] =	sst s3  }
0xc: {  	[smem:$0x3FA8] =	sst s4  }
0xd: {  	[smem:$0x3FA9] =	sst s5  }
0xe: {  	[smem:$0x3FAA] =	sst s6  }
0xf: {  	[smem:$0x3FAB] =	sst s7  }
0x10: {  	[smem:$0x3FAC] =	sst s8  }
0x11: {  	[smem:$0x3FAD] =	sst s9;
	s0 =	simm.s32 @!p0 $0x0  }
0x12: {  	s1 =	sld [smem:$0x3F93];
	s0 =	simm.s32 @p0 $0x1  }
0x13: {  	[smem:$0x3FAE] =	sst s0;
	s0 =	simm.s32 @!p1 $0x0  }
0x14: {  	s2 =	sld [smem:$0x3F92];
	s0 =	simm.s32 @p1 $0x1  }
0x15: {  	[smem:$0x3FAF] =	sst s0;
	s0 =	simm.s32 @!p2 $0x0  }
0x16: {  	s3 =	sld [smem:$0x3FDB];
	s0 =	simm.s32 @p2 $0x1  }
0x17: {  	s4 =	simm.s32 $0x1BF5;
	[smem:$0x3FB1] =	sst s0  }
0x18: {  	s0 =	sld [smem:$0x3F94];
	_ =	swait.ge [sflag:s4], $0x0  }
0x19: {  	s7 =	sld [smem:$0x3F95]  }
0x1a: {  	s8 =	sadd.s32 $0xFFFFE003, lr  }
0x1b: {  	s9 =	sadd.s32 $0xFFFFFEF7, lr;
	s5 =	simm.s32 $0xFFFFFFFF;
	p2 =	slt.u32 s8, $0xFFFFF086  }
0x1c: {  	p1 =	slt.u32 s9, $0xF7A;
	s5 =	simm.s32 @!p2 $0x0  }
0x1d: {  	s5 =	simm.s32 @p1 $0x1;
	p0 =	seq.s32 s7, s2  }
0x1e: {  	s7 =	smul.u32 @!p0 $0xF7A, s2;
	p2 =	seq.s32 @!p0 s5, $0x0  }
0x1f: {  	s9 =	smul.u32 $0xF7A, s1;
	s8 =	simm.s32 @!p0 $0x1BF5;
	p2 =	por !p2, p0  }
0x20: {  	[sflag:s8] =	ssyncset.s32 @!p0 $0xFFFFF086;
	s6 =	sadd.s32 @!p0 s3, s7;
	s7 =	simm.s32 @!p0 $0x108  }
0x21: {  	s3 =	sadd.s32 s3, s9;
	s6 =	sadd.s32 @!p0 $0x88, s6;
	s7 =	simm.s32 @p2 $0x1082  }
0x22: {  	[simem:s7], [sflag:s8] =	dma.local @!p0 [hbm:s6], $0xF7A  }
0x23: {  	s9 =	sor.u32 $0xD0000000, s2;
	s6 =	simm.s32 $0x108;
	_ =	swait.ge @!p0 [sflag:s8], $0x0  }
0x24: {  	s3 =	sadd.s32 $0x88, s3;
	s6 =	simm.s32 @!p1 $0x1082;
	[sflag:s4] =	ssyncset.s32 $0xFFFFF086  }
0x25: {  	[simem:s6], [sflag:s4] =	dma.local [hbm:s3], $0xF7A  }
0x26: {  	[smem:$0x3F95] =	sst s1;
	(tag) =	ssettag s2;
	_ =	strace s9  }
0x27: {  	s1 =	sld [smem:$0x3FA5]  }
0x28: {  	s2 =	sld [smem:$0x3FA6]  }
0x29: {  	s4 =	sld [smem:$0x3FA8]  }
0x2a: {  	p0 =	seq.s32 s5, $0x0;
	s5 =	sld [smem:$0x3FA9]  }
0x2b: {  	s6 =	sld [smem:$0x3FAA]  }
0x2c: {  	s7 =	sld [smem:$0x3FAB]  }
0x2d: {  	s3 =	simm.s32 $0x108;
	s8 =	sld [smem:$0x3FAC]  }
0x2e: {  	s3 =	simm.s32 @!p0 $0x1082;
	s9 =	sld [smem:$0x3FAD]  }
0x2f: {  	lr =	sadd.s32 s0, s3;
	s0 =	sld [smem:$0x3FA4]  }
0x30: {  	s3 =	sld [smem:$0x3FA7]  }
0x31: {  	[smem:$0x3FB0] =	sst s10  }
0x32: {  	s10 =	sld [smem:$0x3FAE];
	_ =	sdelay $0x3  }
0x33: {  	p0 =	seq.s32 s10, $0x1;
	s10 =	sld [smem:$0x3FB0];
	_ =	sdelay $0x3  }
0x34: {  	[smem:$0x3FB0] =	sst s10  }
0x35: {  	s10 =	sld [smem:$0x3FAF];
	_ =	sdelay $0x3  }
0x36: {  	p1 =	seq.s32 s10, $0x1;
	s10 =	sld [smem:$0x3FB0];
	_ =	sdelay $0x3  }
0x37: {  	[smem:$0x3FB0] =	sst s10  }
0x38: {  	s10 =	sld [smem:$0x3FB1]  }
0x39: {  	_ = 	snop;
	(pc) =	sbr.ind lr, $3  }
0x3a: {  	_ = 	snop  }
0x3b: {  	_ = 	snop  }
0x3c: {  	p2 =	seq.s32 s10, $0x1;
	s10 =	sld [smem:$0x3FB0]  }
0x3d: {  	_ =	shalt  }
0x3e: {  	_ =	shalt  }
0x3f: {  	_ =	shalt  }
0x40: {  	_ =	shalt  }
0x41: {  	_ =	shalt  }
0x42: {  	_ =	shalt  }
0x43: {  	_ =	shalt  }
0x44: {  	_ =	shalt  }
0x45: {  	_ =	shalt  }
0x46: {  	_ =	shalt  }
0x47: {  	_ =	shalt  }
0x48: {  	_ =	shalt  }
0x49: {  	_ =	shalt  }
0x4a: {  	_ =	shalt  }
0x4b: {  	_ =	shalt  }
0x4c: {  	_ =	shalt  }
0x4d: {  	_ =	shalt  }
0x4e: {  	_ =	shalt  }
0x4f: {  	_ =	shalt  }
0x50: {  	_ =	shalt  }
0x51: {  	_ =	shalt  }
0x52: {  	_ =	shalt  }
0x53: {  	_ =	shalt  }
0x54: {  	_ =	shalt  }
0x55: {  	_ =	shalt  }
0x56: {  	_ =	shalt  }
0x57: {  	_ =	shalt  }
0x58: {  	_ =	shalt  }
0x59: {  	_ =	shalt  }
0x5a: {  	_ =	shalt  }
0x5b: {  	_ =	shalt  }
0x5c: {  	_ =	shalt  }
0x5d: {  	_ =	shalt  }
0x5e: {  	_ =	shalt  }
0x5f: {  	_ =	shalt  }
0x60: {  	_ =	shalt  }
0x61: {  	_ =	shalt  }
0x62: {  	_ =	shalt  }
0x63: {  	_ =	shalt  }
0x64: {  	_ =	shalt  }
0x65: {  	_ =	shalt  }
0x66: {  	_ =	shalt  }
0x67: {  	_ =	shalt  }
0x68: {  	_ =	shalt  }
0x69: {  	_ =	shalt  }
0x6a: {  	_ =	shalt  }
0x6b: {  	_ =	shalt  }
0x6c: {  	_ =	shalt  }
0x6d: {  	_ =	shalt  }
0x6e: {  	_ =	shalt  }
0x6f: {  	_ =	shalt  }
0x70: {  	_ =	shalt  }
0x71: {  	_ =	shalt  }
0x72: {  	_ =	shalt  }
0x73: {  	_ =	shalt  }
0x74: {  	_ =	shalt  }
0x75: {  	_ =	shalt  }
0x76: {  	_ =	shalt  }
0x77: {  	_ =	shalt  }
0x78: {  	_ =	shalt  }
0x79: {  	_ =	shalt  }
0x7a: {  	_ =	shalt  }
0x7b: {  	_ =	shalt  }
0x7c: {  	_ =	shalt  }
0x7d: {  	_ =	shalt  }
0x7e: {  	_ =	shalt  }
0x7f: {  	_ =	shalt  }
0x80: {  	_ =	shalt  }
0x81: {  	_ =	shalt  }
0x82: {  	_ =	shalt  }
0x83: {  	_ =	shalt  }
0x84: {  	_ =	shalt  }
0x85: {  	_ =	shalt  }
0x86: {  	_ =	shalt  }
0x87: {  	_ =	shalt  }
.Lfunc_end0:
.L_simem_size_0:
called_computation_lowered:
.L_overlay_start_0:
0x88: {  	s2 =	sld [smem:$0x3FD9]  }
0x89: {  	s3 =	sld [smem:$0x3FFE];
	_ =	sdelay $0x1  }
0x8a: {  	s1 =	srdreg.scid  }
0x8b: {  	s0 =	sand.u32 $0x1, s1  }
0x8c: {  	s16 =	sshll.u32 s0, $0xA;
	s2 =	sadd.s32 s3, s2  }
0x8d: {  	s2 =	sadd.s32 s2, s16  }
0x8e: {  	[smem:$0x3FBC] =	sst s2  }
0x8f: {  	_ = 	snop  }
0x90: {  	(tm) =	ssettm $0x1  }
0x91: {  	s17 =	sld [smem:$0x3FFB];
	_ =	sdelay $0x3  }
0x92: {  	_ =	strace s17  }
0x93: {  	s2 =	sld [smem:$0x3FFC];
	_ =	sdelay $0x3  }
0x94: {  	_ =	strace s2  }
0x95: {  	s2 =	sld [smem:$0x3FFD];
	_ =	sdelay $0x3  }
0x96: {  	_ =	strace s2  }
0x97: {  	_ =	strace $0x8FFFFFFF  }
0x98: {  	s18 =	sld [smem:$0x3FDB];
	_ =	sdelay $0x1  }
0x99: {  	s19 =	simm.s32 $_scs_section_size  }
0x9a: {  	s4 =	simm.s32 $_size__tile_overlayer_lowered;
	s5 =	simm.s32 $_tile_overlayer_lowered  }
0x9b: {  	s22 =	simm.s32 $0x1BFF;
	s21 =	sshll.u32 s5, $0x1;
	s2 =	sadd.s32 s19, s18  }
0x9c: {  	s6 =	simm.s32 $0x0;
	s20 =	sshll.u32 s4, $0x1;
	s4 =	sadd.s32 s21, s2  }
0x9d: {  	[timem:s6], [sflag:s22] =	dma.local [hbm:s4], s20  }
0x9e: {  	_ =	swait.ge [sflag:s22], s20  }
0x9f: {  	s3 =	ssub.s32 $0x0, s20;
	[sflag:s22] =	ssyncset.done $0x0  }
0xa0: {  	[sflag:s22] =	ssyncadd.s32 s3;
	_ =	sdelay $0x1  }
0xa1: {  	s23 =	simm.s32 $0x1B8B  }
0xa2: {  	_ =	swait.ge [sflag:s23], $0x1  }
0xa3: {  	[sflag:s23] =	ssyncset.done $0x0  }
0xa4: {  	s25 =	simm.s32 $0x1B8E;
	s24 =	sld [smem:$0x3FFE];
	[sflag:s23] =	ssyncadd.s32 $0xFFFFFFFF  }
0xa5: {  	s26 =	simm.s32 $execute0_lowered;
	[smem:$0x3FD2] =	sst s25  }
0xa6: {  	s4 =	sshll.u32 s26, $0x1;
	_ =	strace $0x80000046;
	[dreg:$0x1] =	wrdreg $0xFFFFFFFF  }
0xa7: {  	s28 =	simm.s32 $_size_execute0_lowered;
	s2 =	sadd.s32 s2, s4;
	[dreg:$0x0] =	wrdreg $0x0  }
0xa8: {  	s4 =	sshll.u32 s28, $0x1;
	[dreg:$0x2] =	wrdreg s2  }
0xa9: {  	[dreg:$0x3] =	wrdreg s4  }
0xaa: {  	[dreg:$0x4] =	wrdreg $0xC0  }
0xab: {  	_ =	task [dreg:s6], $0x5FFFF  }
0xac: {  	[dreg:$0x1] =	wrdreg $0xFFFFFFFF  }
0xad: {  	[dreg:$0x0] =	wrdreg $0x60  }
0xae: {  	[dreg:$0x2] =	wrdreg s24  }
0xaf: {  	[dreg:$0x3] =	wrdreg $0x5C000  }
0xb0: {  	[dreg:$0x4] =	wrdreg $0x9  }
0xb1: {  	_ =	task.clear_ibuf [dreg:s6], $0x5FFFF;
	_ =	strace $0x90000046  }
0xb2: {  	s29 =	simm.s32 $0x9;
	_ =	strace $0x80000048  }
0xb3: {  	_ =	swait.ge [sflag:s29], $0x1  }
0xb4: {  	[sflag:s29] =	ssyncadd.s32 $0xFFFFFFFF  }
0xb5: {  	_ =	strace $0x90000048  }
0xb6: {  	_ =	sfence  }
0xb7: {  	s30 =	sld [smem:$0x0];
	_ =	sdelay $0x2  }
0xb8: {  	s31 =	sshll.u32 s1, $0xD;
	s1 =	sshrl.u32 s1, $0x2  }
0xb9: {  	s3 =	sand.u32 $0x4000, s31;
	s1 =	sadd.s32 s1, s30  }
0xba: {  	s0 =	sor.u32 s3, s0;
	s1 =	sshll.u32 s1, $0x11  }
0xbb: {  	s0 =	sor.u32 s1, s0  }
0xbc: {  	s0 =	sadd.s32 $0x8F2B, s0  }
0xbd: {  	[sflag:s0] =	ssyncadd.remote.s32 $0x1  }
0xbe: {  	_ =	sfence.sel $0xFFFF  }
0xbf: {  	[dreg:$0x0] =	wrdreg $0xFFFFFFFF;
	(pc) =	sbr.abs _section_cstart, $3  }
0xc0: {  	[dreg:$0x1] =	wrdreg $0xFFFFFFFF  }
0xc1: {  	_ =	task.clear_ibuf [dreg:s6], $0x2FFFF;
	_ =	strace $0x9FFFFFFF  }
0xc2: {  	(tm) =	ssettm $0x7FFFFFFF  }
0xc3: {  	_ =	shalt  }
tec
execute0_lowered:
.L_overlay_start_1:
0x0: {  	(tag) =	ssettag $0x1  }
0x1: {  	s1 =	srdreg.scid  }
0x2: {  	s0 =	stileid.u32;
	s6 =	rddreg [dreg:$0x0]  }
0x3: {  	s2 =	rddreg [dreg:$0x1];
	s3 =	simm.s32 $0x0;
	s15 =	simm.s32 $0x4C00  }
0x4: {  	s16 =	simm.s32 $0x2;
	s17 =	simm.s32 $0x1400;
	s18 =	simm.s32 $0x2800  }
0x5: {  	s19 =	simm.s32 $0x80;
	s20 =	simm.s32 $0x3C00;
	s21 =	simm.s32 $0x1  }
0x6: {  	s5 =	sand.u32 $0x1, s1;
	s28 =	sshll.u32 s0, $0x1;
	s8 =	smul.u32 $0x5000, s0  }
0x7: {  	[smem:$0x7FF] =	sst s3;
	s10 =	smul.u32 $0x14000, s0;
	s4 =	sadd.s32 $0x400, s6  }
0x8: {  	s1 =	sor.u32 s5, s28;
	s9 =	smul.u32 $0x50000, s5;
	s5 =	ssub.s32 $0x2, s5  }
0x9: {  	s7 =	smul.u32 $0x280, s1;
	s1 =	rddreg [dreg:$0x2];
	_ =	strace $0x80000047  }
0xa: {  	s30 =	sshrl.u32 s10, $0x2;
	s31 =	sshrl.u32 s5, $0x1;
	s29 =	sadd.s32 s8, s9  }
0xb: {  	s9 =	sadd.s32 s30, s2;
	s14 =	ssub.s32 s5, s31;
	s5 =	sadd.s32 s8, s2  }
0xc: {  	s12 =	sadd.s32 s7, s6;
	s7 =	sshrl.u32 s29, $0x3;
	s8 =	sadd.s32 $0x3000, s9  }
0xd: {  	s14 =	smax.u32 s14, $0x1;
	s13 =	sadd.s32 s7, s6;
	s6 =	sadd.s32 $0x1000, s9  }
0xe: {  	s7 =	sadd.s32 $0x2000, s9;
	s9 =	sadd.s32 $0x4000, s9;
	s10 =	sadd.s32 $0xF200, s12  }
0xf: {  	v0 =	vimm.f32 $0.0e+00;
	v1 =	vimm.f32 $1.000000000e+00;
	s11 =	sadd.s32 $0xA200, s12;
	s12 =	sadd.s32 $0x14200, s12;
	s13 =	sadd.s32 $0x19200, s13  }
.LBB2_1:
0x10: {  	s22 =	simm.s32 $0x80;
	s23 =	simm.s32 $0x0  }
.LBB2_2:
0x11: {  	p0 =	sne.s32 s22, $0x3F80;
	[tilespmem:s23+$0x4C00] =	vst v0;
	s24 =	smov.u32 s22;
	s22 =	sadd.s32 $0x80, s22  }
.Ltmp0:
0x12: {  	[tilespmem:s23+$0x4C10] =	vst v0;
	(pc) =	sbr.rel @p0 .LBB2_2-.Ltmp0, $2  }
0x13: {  	_ =	sdelay $0x2  }
0x14: {  	s23 =	sshra.s32 s24, $0x2  }
0x15: {  	[tilespmem:s23+$0x4C00] =	vst v0  }
0x16: {  	[tilespmem:s23+$0x4C10] =	vst v0  }
0x17: {  	[spmem:s5] =	stream.linear.scatter [tilespmem:s15], [sflag:$0x2], $0x1000, $0x38;
	[tilespmem:$0xAC00] =	vst v63  }
0x18: {  	_ =	swait.ge [sflag:s16], $0x1000  }
0x19: {  	[sflag:s16] =	ssyncset.done $0x0  }
0x1a: {  	[sflag:s16] =	ssyncadd.s32 $0xFFFFF000  }
0x1b: {  	[spmem:s6] =	stream.linear.scatter [tilespmem:s15], [sflag:$0x2], $0x1000, $0x38;
	[tilespmem:$0xAC00] =	vst v63  }
0x1c: {  	_ =	swait.ge [sflag:s16], $0x1000  }
0x1d: {  	[sflag:s16] =	ssyncset.done $0x0  }
0x1e: {  	[sflag:s16] =	ssyncadd.s32 $0xFFFFF000  }
0x1f: {  	[spmem:s7] =	stream.linear.scatter [tilespmem:s15], [sflag:$0x2], $0x1000, $0x38;
	[tilespmem:$0xAC00] =	vst v63  }
0x20: {  	_ =	swait.ge [sflag:s16], $0x1000  }
0x21: {  	[sflag:s16] =	ssyncset.done $0x0  }
0x22: {  	[sflag:s16] =	ssyncadd.s32 $0xFFFFF000  }
0x23: {  	[spmem:s8] =	stream.linear.scatter [tilespmem:s15], [sflag:$0x2], $0x1000, $0x38;
	[tilespmem:$0xAC00] =	vst v63  }
0x24: {  	_ =	swait.ge [sflag:s16], $0x1000  }
0x25: {  	[sflag:s16] =	ssyncset.done $0x0  }
0x26: {  	[sflag:s16] =	ssyncadd.s32 $0xFFFFF000  }
0x27: {  	[spmem:s9] =	stream.linear.scatter [tilespmem:s15], [sflag:$0x2], $0x1000, $0x38;
	[tilespmem:$0xAC00] =	vst v63  }
0x28: {  	_ =	swait.ge [sflag:s16], $0x1000  }
0x29: {  	[sflag:s16] =	ssyncset.done $0x0  }
0x2a: {  	s22 =	simm.s32 $0x80;
	s23 =	simm.s32 $0x0;
	[sflag:s16] =	ssyncadd.s32 $0xFFFFF000  }
.LBB2_4:
0x2b: {  	p0 =	sne.s32 s22, $0x3F80;
	[tilespmem:s23+$0x4C10] =	vst v1;
	s23 =	smov.u32 s22;
	s22 =	sadd.s32 $0x80, s22  }
.Ltmp1:
0x2c: {  	(pc) =	sbr.rel @p0 .LBB2_4-.Ltmp1, $2  }
0x2d: {  	_ =	sdelay $0x2  }
0x2e: {  	s23 =	sshra.s32 s23, $0x2  }
0x2f: {  	[tilespmem:s23+$0x4C10] =	vst v1;
	s22 =	simm.s32 $0x0  }
0x30: {  	[tilespmem:s22], [sflag:$0x2] =	stream.linear.gather [hbm4b:s10+s22], $0x1400, $0x38;
	[tilespmem:$0xAC00] =	vst v63  }
0x31: {  	_ =	swait.ge [sflag:s16], $0x1400  }
0x32: {  	[sflag:s16] =	ssyncset.done $0x0  }
0x33: {  	[sflag:s16] =	ssyncadd.s32 $0xFFFFEC00  }
0x34: {  	[tilespmem:s17], [sflag:$0x2] =	stream.linear.gather [hbm4b:s11+s22], $0x1400, $0x38;
	[tilespmem:$0xAC00] =	vst v63  }
0x35: {  	_ =	swait.ge [sflag:s16], $0x1400  }
0x36: {  	[sflag:s16] =	ssyncset.done $0x0  }
0x37: {  	[sflag:s16] =	ssyncadd.s32 $0xFFFFEC00  }
0x38: {  	[tilespmem:s18], [sflag:$0x2] =	stream.linear.gather [hbm4b:s12+s22], $0x1400, $0x38;
	[tilespmem:$0xAC00] =	vst v63  }
0x39: {  	_ =	swait.ge [sflag:s16], $0x1400  }
0x3a: {  	[sflag:s16] =	ssyncset.done $0x0  }
0x3b: {  	[sflag:s16] =	ssyncadd.s32 $0xFFFFEC00  }
0x3c: {  	s23 =	simm.s32 $0x0;
	[bflag:$0x0] =	sbarrier.arrive $0xFFFF  }
.LBB2_6:
0x3d: {  	s24 =	sshll.u32 s23, $0x7;
	v2 =	vmov s22  }
0x3e: {  	[tilespmem:s20], [sflag:$0x1] =	stream.indirect.gather [hbm4b:s4+s19], $0x20, s24, s19, $0xb8;
	[tilespmem:$0xAC00] =	vst v63  }
0x3f: {  	_ =	swait.ge [sflag:s21], $0x1000  }
0x40: {  	[sflag:s21] =	ssyncset.done $0x0  }
0x41: {  	[sflag:s21] =	ssyncadd.s32 $0xFFFFF000  }
0x42: {  	s26 =	simm.s32 $0x0;
	v4 =	vld.idx.msk [tilespmem:v2+s18+$0x0], $0xffff  }
0x43: {  	v5 =	vld [tilespmem:s26+$0x3C00];
	_ =	sdelay $0x1  }
0x44: {  	v3 =	vld [tilespmem:s26+$0x3C10];
	_ =	sdelay $0x1  }
0x45: {  	s28 =	sadd.s32 $0x1, s22  }
0x46: {  	s25 =	simm.s32 $0x80;
	s29 =	simm.s32 $0x100;
	v2 =	vmov s28;
	v4 =	vmul.f32 v5, v4  }
.LBB2_7:
0x47: {  	p0 =	sne.s32 s29, $0x3F80  }
0x48: {  	v3 =	vadd.f32 v3, v4;
	_ =	sdelay $0x1  }
0x49: {  	[tilespmem:s26+$0x4C00] =	vst v3  }
0x4a: {  	s26 =	sshra.s32 s25, $0x2;
	s25 =	smov.u32 s29;
	v4 =	vld.idx.msk [tilespmem:v2+s18+$0x0], $0xffff  }
0x4b: {  	v5 =	vld [tilespmem:s26+$0x3C00]  }
.Ltmp2:
0x4c: {  	(pc) =	sbr.rel @p0 .LBB2_7-.Ltmp2, $3  }
0x4d: {  	v3 =	vld [tilespmem:s26+$0x3C10];
	_ =	sdelay $0x1  }
0x4e: {  	s28 =	sadd.s32 $0x1, s28  }
0x4f: {  	s29 =	sadd.s32 $0x80, s29;
	v2 =	vmov s28;
	v4 =	vmul.f32 v5, v4  }
0x50: {  	_ = 	snop  }
0x51: {  	v3 =	vadd.f32 v3, v4;
	_ =	sdelay $0x1  }
0x52: {  	[tilespmem:s26+$0x4C00] =	vst v3  }
0x53: {  	s25 =	sshra.s32 s25, $0x2;
	v2 =	vld.idx.msk [tilespmem:v2+s18+$0x0], $0xffff  }
0x54: {  	v3 =	vld [tilespmem:s25+$0x3C00];
	_ =	sdelay $0x1  }
0x55: {  	v63 =	vld [tilespmem:s25+$0x3C10];
	_ =	sdelay $0x2  }
0x56: {  	v2 =	vmul.f32 v3, v2;
	_ =	sdelay $0x1  }
0x57: {  	s23 =	sadd.s32 $0x1, s23;
	v2 =	vadd.f32 v63, v2  }
0x58: {  	p0 =	sne.s32 s23, $0x28  }
.Ltmp3:
0x59: {  	s24 =	sadd.s32 $0x1400, s24;
	[tilespmem:s25+$0x4C00] =	vst v2;
	(pc) =	sbr.rel @p0 .LBB2_6-.Ltmp3, $4  }
0x5a: {  	[spmem:s2] =	stream.indirect.scatter.add.f32 [tilespmem:s15], [sflag:$0x2], $0x20, s24, s19, $0xb8;
	[tilespmem:$0xAC00] =	vst v63  }
0x5b: {  	_ =	swait.ge [sflag:s16], $0x1000  }
0x5c: {  	[sflag:s16] =	ssyncset.done $0x0  }
0x5d: {  	s22 =	sadd.s32 $0x80, s22;
	[sflag:s16] =	ssyncadd.s32 $0xFFFFF000  }
0x5e: {  	s3 =	sadd.s32 $0x1, s3  }
0x5f: {  	s22 =	sshll.u32 s0, $0x6;
	[bflag:$0x0] =	sbarrier.arrive $0xFFFF;
	p0 =	sne.s32 s3, s14  }
.Ltmp4:
0x60: {  	s23 =	sshrl.u32 s5, $0x3;
	s22 =	sor.u32 $0x1C02, s22;
	(pc) =	sbr.rel @p0 .LBB2_1-.Ltmp4, $4  }
0x61: {  	[hbm:s13], [sflag:s22] =	dma.local [spmem:s23], $0xA00  }
0x62: {  	_ =	swait.ge [sflag:s16], $0xA00  }
0x63: {  	[sflag:s16] =	ssyncset.done $0x0  }
0x64: {  	[sflag:s16] =	ssyncadd.s32 $0xFFFFF600  }
0x65: {  	_ =	sfence.sel $0x180000  }
0x66: {  	[bflag:$0x0] =	sbarrier.arrive $0xFFFF  }
0x67: {  	p0 =	sne.s32 s0, $0x0;
	_ =	strace $0x90000047  }
0x68: {  	s0 =	sadd.s32 @!p0 $0x100000, s1;
	[bflag:$0x2] =	sbarrier.arrive $0xFFFF  }
0x69: {  	[sflag:s0] =	ssyncadd.tile.s32 @!p0 $0x1;
	_ =	shalt  }
.Lfunc_end2:
_tile_overlayer_lowered:
.L_overlay_start_2:
0x6a: {  	(tag) =	ssettag $0x2  }
0x6b: {  	s0 =	rddreg [dreg:$0x0];
	s2 =	stileid.u32  }
0x6c: {  	s1 =	rddreg [dreg:$0x1];
	p0 =	sne.s32 s2, $0x0  }
0x6d: {  	s3 =	rddreg [dreg:$0x2];
	[bflag:$0x3] =	sbarrier.arrive $0xFFFF;
	s2 =	simm.s32 @!p0 $0x1C02  }
0x6e: {  	[timem:s3], [sflag:s2] =	dma.local @!p0 [hbm:s0], s1  }
0x6f: {  	s0 =	simm.s32 @!p0 $0x2  }
0x70: {  	_ =	swait.ge @!p0 [sflag:s0], s1  }
0x71: {  	s1 =	ssub.s32 @!p0 $0x0, s1;
	[sflag:s0] =	ssyncset.done @!p0 $0x0  }
0x72: {  	[sflag:s0] =	ssyncadd.s32 @!p0 s1  }
0x73: {  	[bflag:$0x3] =	sbarrier.arrive $0xFFFF  }
0x74: {  	_ =	shalt  }

</sc_bundles>
